<compile_context>
chip_gen: v7x
topology: tpu7x:2x2x1
jax: 0.10.2.dev20260603
libtpu: 0.0.44.dev20260713+nightly
codegen_flags: <defaults>
</compile_context>

<pallas_src>
import functools

import jax
import jax.numpy as jnp
from jax import lax
from jax.experimental import pallas as pl
from jax.experimental.pallas import tpu as pltpu
from jax.experimental.pallas import tpu_sc as plsc

D = 32
RB = 4
NBUF = 4

_info = plsc.get_sparse_core_info()
_NC, _NS = _info.num_cores, _info.num_subcores
NW = _NC * _NS


@functools.lru_cache(maxsize=None)
def _make_gather(B, H):
    assert B % (NW * RB) == 0, (B, H)
    rows_per_w = B // NW
    n_chunks = rows_per_w // RB
    assert n_chunks > NBUF
    mesh = plsc.VectorSubcoreMesh(core_axis_name="c", subcore_axis_name="s")

    @functools.partial(
        pl.kernel,
        out_type=jax.ShapeDtypeStruct((B, H, D), jnp.float32),
        mesh=mesh,
        scratch_types=[
            pltpu.VMEM((NBUF, RB, H), jnp.int32),
            pltpu.VMEM((NBUF, RB, H, D), jnp.float32),
            pltpu.SemaphoreType.DMA((NBUF,)),
            pltpu.SemaphoreType.DMA((NBUF,)),
        ],
        compiler_params=pltpu.CompilerParams(use_tc_tiling_on_sc=False),
    )
    def gather_kernel(ids_hbm, table_hbm, out_hbm, idx_v, rows_v,
                      sem_g, sem_s):
        wid = lax.axis_index("s") * _NC + lax.axis_index("c")
        base = wid * rows_per_w

        def start_gather(j, bj):
            row0 = base + j * RB
            pltpu.sync_copy(ids_hbm.at[pl.ds(row0, RB), :], idx_v.at[bj])
            for k in range(RB):
                pltpu.async_copy(table_hbm.at[idx_v.at[bj, k]],
                                 rows_v.at[bj, k], sem_g.at[bj])

        def wait_gather(bj):
            for k in range(RB):
                pltpu.make_async_copy(table_hbm.at[idx_v.at[bj, k]],
                                      rows_v.at[bj, k], sem_g.at[bj]).wait()

        def wait_store(bj):
            pltpu.make_async_copy(rows_v.at[bj],
                                  out_hbm.at[pl.ds(base, RB)],
                                  sem_s.at[bj]).wait()

        for k in range(NBUF - 1):
            start_gather(k, k)

        def body(i, carry):
            b = lax.rem(i, NBUF)
            j = i + NBUF - 1
            bj = lax.rem(j, NBUF)

            @pl.when(j < n_chunks)
            def _():
                @pl.when(i > 0)
                def _():
                    wait_store(bj)
                start_gather(j, bj)

            wait_gather(b)
            row0 = base + i * RB
            pltpu.async_copy(rows_v.at[b], out_hbm.at[pl.ds(row0, RB)],
                             sem_s.at[b])
            return carry

        lax.fori_loop(0, n_chunks, body, 0)

        for bj in range(NBUF):
            wait_store(bj)

    return gather_kernel


@jax.jit
def kernel(token_ids, weight):
    b, h = token_ids.shape
    o = _make_gather(b, h)(token_ids.astype(jnp.int32), weight)
    o2 = lax.optimization_barrier(o.reshape(b, h * D))
    return o2.reshape(b, h, D)

# --- scband reference (transcript-rebuilt; emitter-appended) ---
"""Pipeline reference for scband-rmsnorm-2937757630814 (READ-ONLY COPY).

The authoritative reference and input builder live on the scoring server;
editing this copy changes nothing except your own understanding.
"""

import jax, jax.numpy as jnp
import numpy as np

NUM_EMBEDDINGS = 1000000
EMBEDDING_DIM = 32
BATCH = 16384
HIST_LEN = 200

def setup_inputs(seed: int = 0) -> dict:
    key = jax.random.key(seed)
    k_idx, k_w = jax.random.split(key)
    token_ids = jax.random.randint(k_idx, (BATCH, HIST_LEN), 0, NUM_EMBEDDINGS, dtype=jnp.int64 if jax.config.jax_enable_x64 else jnp.int32)
    # trunc_normal_(mean=0.0, std=1.0, a=-3.0, b=3.0)
    weight = jax.random.truncated_normal(k_w, -3.0, 3.0, (NUM_EMBEDDINGS, EMBEDDING_DIM), dtype=jnp.float32)
    return {"token_ids": token_ids, "weight": weight}

def reference(token_ids, weight):
    # Faithful translation of forward: self.weight[token_ids]
    return jnp.take(weight, token_ids, axis=0)

if __name__ == "__main__":
    import jax
    _d = setup_inputs()
    print(jax.jit(kernel)(*tuple(_d.values())))

</pallas_src>

<mosaic_0001>
#map = affine_map<(d0, d1) -> (0, 0)>
#map1 = affine_map<(d0, d1) -> (0, 0, 0)>
module attributes {stable_mosaic.version = 14 : i64} {
  func.func @gather_kernel(%arg0: i32, %arg1: i32, %arg2: memref<16384x200xi32, #tpu.memory_space<hbm>>, %arg3: memref<1000000x32xf32, #tpu.memory_space<hbm>>, %arg4: memref<16384x200x32xf32, #tpu.memory_space<hbm>>, %arg5: memref<4x4x200xi32, #tpu.memory_space<vmem>>, %arg6: memref<4x4x200x32xf32, #tpu.memory_space<vmem>>, %arg7: memref<4x!tpu.dma_semaphore, #tpu.memory_space<semaphore_mem>>, %arg8: memref<4x!tpu.dma_semaphore, #tpu.memory_space<semaphore_mem>>) attributes {dimension_semantics = [#tpu.dimension_semantics<core_parallel>, #tpu.dimension_semantics<subcore_parallel>], iteration_bounds = array<i64: 2, 16>, scalar_prefetch = 0 : i64, scratch_operands = 4 : i64, tpu.core_type = #tpu.core_type<sc_vector_subcore>, window_params = [{transform_indices = #map}, {transform_indices = #map}, {transform_indices = #map1}]} {
    %mul3A = arith.constant 2 : i32
    %mul3A_0 = arith.muli %arg1, %mul3A : i32
    %add3A = arith.addi %mul3A_0, %arg0 : i32
    %mul3A_1 = arith.constant 512 : i32
    %mul3A_2 = arith.muli %add3A, %mul3A_1 : i32
    %add3A_3 = arith.constant 0 : i32
    %add3A_4 = arith.addi %mul3A_2, %add3A_3 : i32
    %run_scoped3A = arith.constant 0 : i32
    "tpu.region"() ({
      %run_scoped3A_298 = tpu.sem_alloc : memref<!tpu.dma_semaphore, #tpu.memory_space<semaphore_mem>>
      %dma_start3A_299 = arith.constant 0 : i32
      %dma_start3A_300 = arith.constant 0 : i32
      %dma_start3A_301 = tpu.memref_slice %arg5[%run_scoped3A, %dma_start3A_299, %dma_start3A_300] : memref<4x4x200xi32, #tpu.memory_space<vmem>> -> memref<1x4x200xi32, #tpu.memory_space<vmem>>
      %dma_start3A_302 = tpu.memref_squeeze %dma_start3A_301 : memref<1x4x200xi32, #tpu.memory_space<vmem>> -> memref<4x200xi32, #tpu.memory_space<vmem>>
      %dma_start3A_303 = arith.constant 0 : i32
      %dma_start3A_304 = tpu.memref_slice %arg2[%add3A_4, %dma_start3A_303] : memref<16384x200xi32, #tpu.memory_space<hbm>> -> memref<4x200xi32, #tpu.memory_space<hbm>>
      %dma_start3A_305 = arith.constant 0 : i32
      %dma_start3A_306 = arith.constant 0 : i32
      %dma_start3A_307 = tpu.memref_slice %arg5[%run_scoped3A, %dma_start3A_305, %dma_start3A_306] : memref<4x4x200xi32, #tpu.memory_space<vmem>> -> memref<1x4x200xi32, #tpu.memory_space<vmem>>
      %dma_start3A_308 = tpu.memref_squeeze %dma_start3A_307 : memref<1x4x200xi32, #tpu.memory_space<vmem>> -> memref<4x200xi32, #tpu.memory_space<vmem>>
      %dma_start3A_309 = arith.constant 0 : i32
      %dma_start3A_310 = tpu.memref_slice %arg2[%add3A_4, %dma_start3A_309] : memref<16384x200xi32, #tpu.memory_space<hbm>> -> memref<4x200xi32, #tpu.memory_space<hbm>>
      tpu.enqueue_dma source(%dma_start3A_310 : memref<4x200xi32, #tpu.memory_space<hbm>>) target(%dma_start3A_308 : memref<4x200xi32, #tpu.memory_space<vmem>>) target_semaphore(%run_scoped3A_298 : memref<!tpu.dma_semaphore, #tpu.memory_space<semaphore_mem>>)
      %dma_wait3A_311 = arith.constant 0 : i32
      %dma_wait3A_312 = arith.constant 0 : i32
      %dma_wait3A_313 = tpu.memref_slice %arg5[%run_scoped3A, %dma_wait3A_311, %dma_wait3A_312] : memref<4x4x200xi32, #tpu.memory_space<vmem>> -> memref<1x4x200xi32, #tpu.memory_space<vmem>>
      %dma_wait3A_314 = tpu.memref_squeeze %dma_wait3A_313 : memref<1x4x200xi32, #tpu.memory_space<vmem>> -> memref<4x200xi32, #tpu.memory_space<vmem>>
      %dma_wait3A_315 = arith.constant 0 : i32
      %dma_wait3A_316 = tpu.memref_slice %arg2[%add3A_4, %dma_wait3A_315] : memref<16384x200xi32, #tpu.memory_space<hbm>> -> memref<4x200xi32, #tpu.memory_space<hbm>>
      %dma_wait3A_317 = arith.constant 0 : i32
      %dma_wait3A_318 = arith.constant 0 : i32
      %dma_wait3A_319 = tpu.memref_slice %arg5[%run_scoped3A, %dma_wait3A_317, %dma_wait3A_318] : memref<4x4x200xi32, #tpu.memory_space<vmem>> -> memref<1x4x200xi32, #tpu.memory_space<vmem>>
      %dma_wait3A_320 = tpu.memref_squeeze %dma_wait3A_319 : memref<1x4x200xi32, #tpu.memory_space<vmem>> -> memref<4x200xi32, #tpu.memory_space<vmem>>
      %dma_wait3A_321 = arith.constant 0 : i32
      %dma_wait3A_322 = tpu.memref_slice %arg2[%add3A_4, %dma_wait3A_321] : memref<16384x200xi32, #tpu.memory_space<hbm>> -> memref<4x200xi32, #tpu.memory_space<hbm>>
      tpu.wait_dma2 semaphore(%run_scoped3A_298 : memref<!tpu.dma_semaphore, #tpu.memory_space<semaphore_mem>>) src(%dma_wait3A_322 : memref<4x200xi32, #tpu.memory_space<hbm>>) dst(%dma_wait3A_320 : memref<4x200xi32, #tpu.memory_space<vmem>>)
      tpu.yield
    }) : () -> ()
    %dma_start3A = arith.constant 0 : i32
    %dma_start3A_5 = arith.constant 0 : i32
    %dma_start3A_6 = arith.constant 0 : i32
    %dma_start3A_7 = arith.constant 0 : i32
    %dma_start3A_8 = arith.constant 0 : i32
    %dma_start3A_9 = arith.constant 0 : i32
    %dma_start3A_10 = arith.constant 0 : i32
    %dma_start3A_11 = tpu.memref_slice %arg6[%dma_start3A_6, %dma_start3A_7, %dma_start3A_9, %dma_start3A_10] : memref<4x4x200x32xf32, #tpu.memory_space<vmem>> -> memref<1x1x200x32xf32, #tpu.memory_space<vmem>>
    %dma_start3A_12 = tpu.memref_squeeze %dma_start3A_11 : memref<1x1x200x32xf32, #tpu.memory_space<vmem>> -> memref<200x32xf32, #tpu.memory_space<vmem>>
    %dma_start3A_13 = arith.constant 0 : i32
    %dma_start3A_14 = tpu.memref_slice %arg5[%dma_start3A, %dma_start3A_5, %dma_start3A_13] : memref<4x4x200xi32, #tpu.memory_space<vmem>> -> memref<1x1x200xi32, #tpu.memory_space<vmem>>
    %dma_start3A_15 = tpu.memref_squeeze %dma_start3A_14 : memref<1x1x200xi32, #tpu.memory_space<vmem>> -> memref<200xi32, #tpu.memory_space<vmem>>
    %dma_start3A_16 = arith.constant 0 : i32
    %dma_start3A_17 = arith.constant 0 : i32
    %dma_start3A_18 = tpu.memref_slice %arg3[%dma_start3A_16, %dma_start3A_17] : memref<1000000x32xf32, #tpu.memory_space<hbm>> -> memref<1000000x32xf32, #tpu.memory_space<hbm>>
    %dma_start3A_19 = tpu.memref_slice %arg7[%dma_start3A_8] : memref<4x!tpu.dma_semaphore, #tpu.memory_space<semaphore_mem>> -> memref<1x!tpu.dma_semaphore, #tpu.memory_space<semaphore_mem>>
    %dma_start3A_20 = tpu.memref_squeeze %dma_start3A_19 : memref<1x!tpu.dma_semaphore, #tpu.memory_space<semaphore_mem>> -> memref<!tpu.dma_semaphore, #tpu.memory_space<semaphore_mem>>
    tpu.enqueue_indirect_dma source(%dma_start3A_18 : memref<1000000x32xf32, #tpu.memory_space<hbm>>) target(%dma_start3A_12 : memref<200x32xf32, #tpu.memory_space<vmem>>) offsets(%dma_start3A_15 : memref<200xi32, #tpu.memory_space<vmem>>) semaphore(%dma_start3A_20 : memref<!tpu.dma_semaphore, #tpu.memory_space<semaphore_mem>>)
    %dma_start3A_21 = arith.constant 0 : i32
    %dma_start3A_22 = arith.constant 1 : i32
    %dma_start3A_23 = arith.constant 0 : i32
    %dma_start3A_24 = arith.constant 1 : i32
    %dma_start3A_25 = arith.constant 0 : i32
    %dma_start3A_26 = arith.constant 0 : i32
    %dma_start3A_27 = arith.constant 0 : i32
    %dma_start3A_28 = tpu.memref_slice %arg6[%dma_start3A_23, %dma_start3A_24, %dma_start3A_26, %dma_start3A_27] : memref<4x4x200x32xf32, #tpu.memory_space<vmem>> -> memref<1x1x200x32xf32, #tpu.memory_space<vmem>>
    %dma_start3A_29 = tpu.memref_squeeze %dma_start3A_28 : memref<1x1x200x32xf32, #tpu.memory_space<vmem>> -> memref<200x32xf32, #tpu.memory_space<vmem>>
    %dma_start3A_30 = arith.constant 0 : i32
    %dma_start3A_31 = tpu.memref_slice %arg5[%dma_start3A_21, %dma_start3A_22, %dma_start3A_30] : memref<4x4x200xi32, #tpu.memory_space<vmem>> -> memref<1x1x200xi32, #tpu.memory_space<vmem>>
    %dma_start3A_32 = tpu.memref_squeeze %dma_start3A_31 : memref<1x1x200xi32, #tpu.memory_space<vmem>> -> memref<200xi32, #tpu.memory_space<vmem>>
    %dma_start3A_33 = arith.constant 0 : i32
    %dma_start3A_34 = arith.constant 0 : i32
    %dma_start3A_35 = tpu.memref_slice %arg3[%dma_start3A_33, %dma_start3A_34] : memref<1000000x32xf32, #tpu.memory_space<hbm>> -> memref<1000000x32xf32, #tpu.memory_space<hbm>>
    %dma_start3A_36 = tpu.memref_slice %arg7[%dma_start3A_25] : memref<4x!tpu.dma_semaphore, #tpu.memory_space<semaphore_mem>> -> memref<1x!tpu.dma_semaphore, #tpu.memory_space<semaphore_mem>>
    %dma_start3A_37 = tpu.memref_squeeze %dma_start3A_36 : memref<1x!tpu.dma_semaphore, #tpu.memory_space<semaphore_mem>> -> memref<!tpu.dma_semaphore, #tpu.memory_space<semaphore_mem>>
    tpu.enqueue_indirect_dma source(%dma_start3A_35 : memref<1000000x32xf32, #tpu.memory_space<hbm>>) target(%dma_start3A_29 : memref<200x32xf32, #tpu.memory_space<vmem>>) offsets(%dma_start3A_32 : memref<200xi32, #tpu.memory_space<vmem>>) semaphore(%dma_start3A_37 : memref<!tpu.dma_semaphore, #tpu.memory_space<semaphore_mem>>)
    %dma_start3A_38 = arith.constant 0 : i32
    %dma_start3A_39 = arith.constant 2 : i32
    %dma_start3A_40 = arith.constant 0 : i32
    %dma_start3A_41 = arith.constant 2 : i32
    %dma_start3A_42 = arith.constant 0 : i32
    %dma_start3A_43 = arith.constant 0 : i32
    %dma_start3A_44 = arith.constant 0 : i32
    %dma_start3A_45 = tpu.memref_slice %arg6[%dma_start3A_40, %dma_start3A_41, %dma_start3A_43, %dma_start3A_44] : memref<4x4x200x32xf32, #tpu.memory_space<vmem>> -> memref<1x1x200x32xf32, #tpu.memory_space<vmem>>
    %dma_start3A_46 = tpu.memref_squeeze %dma_start3A_45 : memref<1x1x200x32xf32, #tpu.memory_space<vmem>> -> memref<200x32xf32, #tpu.memory_space<vmem>>
    %dma_start3A_47 = arith.constant 0 : i32
    %dma_start3A_48 = tpu.memref_slice %arg5[%dma_start3A_38, %dma_start3A_39, %dma_start3A_47] : memref<4x4x200xi32, #tpu.memory_space<vmem>> -> memref<1x1x200xi32, #tpu.memory_space<vmem>>
    %dma_start3A_49 = tpu.memref_squeeze %dma_start3A_48 : memref<1x1x200xi32, #tpu.memory_space<vmem>> -> memref<200xi32, #tpu.memory_space<vmem>>
    %dma_start3A_50 = arith.constant 0 : i32
    %dma_start3A_51 = arith.constant 0 : i32
    %dma_start3A_52 = tpu.memref_slice %arg3[%dma_start3A_50, %dma_start3A_51] : memref<1000000x32xf32, #tpu.memory_space<hbm>> -> memref<1000000x32xf32, #tpu.memory_space<hbm>>
    %dma_start3A_53 = tpu.memref_slice %arg7[%dma_start3A_42] : memref<4x!tpu.dma_semaphore, #tpu.memory_space<semaphore_mem>> -> memref<1x!tpu.dma_semaphore, #tpu.memory_space<semaphore_mem>>
    %dma_start3A_54 = tpu.memref_squeeze %dma_start3A_53 : memref<1x!tpu.dma_semaphore, #tpu.memory_space<semaphore_mem>> -> memref<!tpu.dma_semaphore, #tpu.memory_space<semaphore_mem>>
    tpu.enqueue_indirect_dma source(%dma_start3A_52 : memref<1000000x32xf32, #tpu.memory_space<hbm>>) target(%dma_start3A_46 : memref<200x32xf32, #tpu.memory_space<vmem>>) offsets(%dma_start3A_49 : memref<200xi32, #tpu.memory_space<vmem>>) semaphore(%dma_start3A_54 : memref<!tpu.dma_semaphore, #tpu.memory_space<semaphore_mem>>)
    %dma_start3A_55 = arith.constant 0 : i32
    %dma_start3A_56 = arith.constant 3 : i32
    %dma_start3A_57 = arith.constant 0 : i32
    %dma_start3A_58 = arith.constant 3 : i32
    %dma_start3A_59 = arith.constant 0 : i32
    %dma_start3A_60 = arith.constant 0 : i32
    %dma_start3A_61 = arith.constant 0 : i32
    %dma_start3A_62 = tpu.memref_slice %arg6[%dma_start3A_57, %dma_start3A_58, %dma_start3A_60, %dma_start3A_61] : memref<4x4x200x32xf32, #tpu.memory_space<vmem>> -> memref<1x1x200x32xf32, #tpu.memory_space<vmem>>
    %dma_start3A_63 = tpu.memref_squeeze %dma_start3A_62 : memref<1x1x200x32xf32, #tpu.memory_space<vmem>> -> memref<200x32xf32, #tpu.memory_space<vmem>>
    %dma_start3A_64 = arith.constant 0 : i32
    %dma_start3A_65 = tpu.memref_slice %arg5[%dma_start3A_55, %dma_start3A_56, %dma_start3A_64] : memref<4x4x200xi32, #tpu.memory_space<vmem>> -> memref<1x1x200xi32, #tpu.memory_space<vmem>>
    %dma_start3A_66 = tpu.memref_squeeze %dma_start3A_65 : memref<1x1x200xi32, #tpu.memory_space<vmem>> -> memref<200xi32, #tpu.memory_space<vmem>>
    %dma_start3A_67 = arith.constant 0 : i32
    %dma_start3A_68 = arith.constant 0 : i32
    %dma_start3A_69 = tpu.memref_slice %arg3[%dma_start3A_67, %dma_start3A_68] : memref<1000000x32xf32, #tpu.memory_space<hbm>> -> memref<1000000x32xf32, #tpu.memory_space<hbm>>
    %dma_start3A_70 = tpu.memref_slice %arg7[%dma_start3A_59] : memref<4x!tpu.dma_semaphore, #tpu.memory_space<semaphore_mem>> -> memref<1x!tpu.dma_semaphore, #tpu.memory_space<semaphore_mem>>
    %dma_start3A_71 = tpu.memref_squeeze %dma_start3A_70 : memref<1x!tpu.dma_semaphore, #tpu.memory_space<semaphore_mem>> -> memref<!tpu.dma_semaphore, #tpu.memory_space<semaphore_mem>>
    tpu.enqueue_indirect_dma source(%dma_start3A_69 : memref<1000000x32xf32, #tpu.memory_space<hbm>>) target(%dma_start3A_63 : memref<200x32xf32, #tpu.memory_space<vmem>>) offsets(%dma_start3A_66 : memref<200xi32, #tpu.memory_space<vmem>>) semaphore(%dma_start3A_71 : memref<!tpu.dma_semaphore, #tpu.memory_space<semaphore_mem>>)
    %add3A_72 = arith.constant 4 : i32
    %add3A_73 = arith.addi %mul3A_2, %add3A_72 : i32
    %run_scoped3A_74 = arith.constant 1 : i32
    "tpu.region"() ({
      %run_scoped3A_298 = tpu.sem_alloc : memref<!tpu.dma_semaphore, #tpu.memory_space<semaphore_mem>>
      %dma_start3A_299 = arith.constant 0 : i32
      %dma_start3A_300 = arith.constant 0 : i32
      %dma_start3A_301 = tpu.memref_slice %arg5[%run_scoped3A_74, %dma_start3A_299, %dma_start3A_300] : memref<4x4x200xi32, #tpu.memory_space<vmem>> -> memref<1x4x200xi32, #tpu.memory_space<vmem>>
      %dma_start3A_302 = tpu.memref_squeeze %dma_start3A_301 : memref<1x4x200xi32, #tpu.memory_space<vmem>> -> memref<4x200xi32, #tpu.memory_space<vmem>>
      %dma_start3A_303 = arith.constant 0 : i32
      %dma_start3A_304 = tpu.memref_slice %arg2[%add3A_73, %dma_start3A_303] : memref<16384x200xi32, #tpu.memory_space<hbm>> -> memref<4x200xi32, #tpu.memory_space<hbm>>
      %dma_start3A_305 = arith.constant 0 : i32
      %dma_start3A_306 = arith.constant 0 : i32
      %dma_start3A_307 = tpu.memref_slice %arg5[%run_scoped3A_74, %dma_start3A_305, %dma_start3A_306] : memref<4x4x200xi32, #tpu.memory_space<vmem>> -> memref<1x4x200xi32, #tpu.memory_space<vmem>>
      %dma_start3A_308 = tpu.memref_squeeze %dma_start3A_307 : memref<1x4x200xi32, #tpu.memory_space<vmem>> -> memref<4x200xi32, #tpu.memory_space<vmem>>
      %dma_start3A_309 = arith.constant 0 : i32
      %dma_start3A_310 = tpu.memref_slice %arg2[%add3A_73, %dma_start3A_309] : memref<16384x200xi32, #tpu.memory_space<hbm>> -> memref<4x200xi32, #tpu.memory_space<hbm>>
      tpu.enqueue_dma source(%dma_start3A_310 : memref<4x200xi32, #tpu.memory_space<hbm>>) target(%dma_start3A_308 : memref<4x200xi32, #tpu.memory_space<vmem>>) target_semaphore(%run_scoped3A_298 : memref<!tpu.dma_semaphore, #tpu.memory_space<semaphore_mem>>)
      %dma_wait3A_311 = arith.constant 0 : i32
      %dma_wait3A_312 = arith.constant 0 : i32
      %dma_wait3A_313 = tpu.memref_slice %arg5[%run_scoped3A_74, %dma_wait3A_311, %dma_wait3A_312] : memref<4x4x200xi32, #tpu.memory_space<vmem>> -> memref<1x4x200xi32, #tpu.memory_space<vmem>>
      %dma_wait3A_314 = tpu.memref_squeeze %dma_wait3A_313 : memref<1x4x200xi32, #tpu.memory_space<vmem>> -> memref<4x200xi32, #tpu.memory_space<vmem>>
      %dma_wait3A_315 = arith.constant 0 : i32
      %dma_wait3A_316 = tpu.memref_slice %arg2[%add3A_73, %dma_wait3A_315] : memref<16384x200xi32, #tpu.memory_space<hbm>> -> memref<4x200xi32, #tpu.memory_space<hbm>>
      %dma_wait3A_317 = arith.constant 0 : i32
      %dma_wait3A_318 = arith.constant 0 : i32
      %dma_wait3A_319 = tpu.memref_slice %arg5[%run_scoped3A_74, %dma_wait3A_317, %dma_wait3A_318] : memref<4x4x200xi32, #tpu.memory_space<vmem>> -> memref<1x4x200xi32, #tpu.memory_space<vmem>>
      %dma_wait3A_320 = tpu.memref_squeeze %dma_wait3A_319 : memref<1x4x200xi32, #tpu.memory_space<vmem>> -> memref<4x200xi32, #tpu.memory_space<vmem>>
      %dma_wait3A_321 = arith.constant 0 : i32
      %dma_wait3A_322 = tpu.memref_slice %arg2[%add3A_73, %dma_wait3A_321] : memref<16384x200xi32, #tpu.memory_space<hbm>> -> memref<4x200xi32, #tpu.memory_space<hbm>>
      tpu.wait_dma2 semaphore(%run_scoped3A_298 : memref<!tpu.dma_semaphore, #tpu.memory_space<semaphore_mem>>) src(%dma_wait3A_322 : memref<4x200xi32, #tpu.memory_space<hbm>>) dst(%dma_wait3A_320 : memref<4x200xi32, #tpu.memory_space<vmem>>)
      tpu.yield
    }) : () -> ()
    %dma_start3A_75 = arith.constant 1 : i32
    %dma_start3A_76 = arith.constant 0 : i32
    %dma_start3A_77 = arith.constant 1 : i32
    %dma_start3A_78 = arith.constant 0 : i32
    %dma_start3A_79 = arith.constant 1 : i32
    %dma_start3A_80 = arith.constant 0 : i32
    %dma_start3A_81 = arith.constant 0 : i32
    %dma_start3A_82 = tpu.memref_slice %arg6[%dma_start3A_77, %dma_start3A_78, %dma_start3A_80, %dma_start3A_81] : memref<4x4x200x32xf32, #tpu.memory_space<vmem>> -> memref<1x1x200x32xf32, #tpu.memory_space<vmem>>
    %dma_start3A_83 = tpu.memref_squeeze %dma_start3A_82 : memref<1x1x200x32xf32, #tpu.memory_space<vmem>> -> memref<200x32xf32, #tpu.memory_space<vmem>>
    %dma_start3A_84 = arith.constant 0 : i32
    %dma_start3A_85 = tpu.memref_slice %arg5[%dma_start3A_75, %dma_start3A_76, %dma_start3A_84] : memref<4x4x200xi32, #tpu.memory_space<vmem>> -> memref<1x1x200xi32, #tpu.memory_space<vmem>>
    %dma_start3A_86 = tpu.memref_squeeze %dma_start3A_85 : memref<1x1x200xi32, #tpu.memory_space<vmem>> -> memref<200xi32, #tpu.memory_space<vmem>>
    %dma_start3A_87 = arith.constant 0 : i32
    %dma_start3A_88 = arith.constant 0 : i32
    %dma_start3A_89 = tpu.memref_slice %arg3[%dma_start3A_87, %dma_start3A_88] : memref<1000000x32xf32, #tpu.memory_space<hbm>> -> memref<1000000x32xf32, #tpu.memory_space<hbm>>
    %dma_start3A_90 = tpu.memref_slice %arg7[%dma_start3A_79] : memref<4x!tpu.dma_semaphore, #tpu.memory_space<semaphore_mem>> -> memref<1x!tpu.dma_semaphore, #tpu.memory_space<semaphore_mem>>
    %dma_start3A_91 = tpu.memref_squeeze %dma_start3A_90 : memref<1x!tpu.dma_semaphore, #tpu.memory_space<semaphore_mem>> -> memref<!tpu.dma_semaphore, #tpu.memory_space<semaphore_mem>>
    tpu.enqueue_indirect_dma source(%dma_start3A_89 : memref<1000000x32xf32, #tpu.memory_space<hbm>>) target(%dma_start3A_83 : memref<200x32xf32, #tpu.memory_space<vmem>>) offsets(%dma_start3A_86 : memref<200xi32, #tpu.memory_space<vmem>>) semaphore(%dma_start3A_91 : memref<!tpu.dma_semaphore, #tpu.memory_space<semaphore_mem>>)
    %dma_start3A_92 = arith.constant 1 : i32
    %dma_start3A_93 = arith.constant 1 : i32
    %dma_start3A_94 = arith.constant 1 : i32
    %dma_start3A_95 = arith.constant 1 : i32
    %dma_start3A_96 = arith.constant 1 : i32
    %dma_start3A_97 = arith.constant 0 : i32
    %dma_start3A_98 = arith.constant 0 : i32
    %dma_start3A_99 = tpu.memref_slice %arg6[%dma_start3A_94, %dma_start3A_95, %dma_start3A_97, %dma_start3A_98] : memref<4x4x200x32xf32, #tpu.memory_space<vmem>> -> memref<1x1x200x32xf32, #tpu.memory_space<vmem>>
    %dma_start3A_100 = tpu.memref_squeeze %dma_start3A_99 : memref<1x1x200x32xf32, #tpu.memory_space<vmem>> -> memref<200x32xf32, #tpu.memory_space<vmem>>
    %dma_start3A_101 = arith.constant 0 : i32
    %dma_start3A_102 = tpu.memref_slice %arg5[%dma_start3A_92, %dma_start3A_93, %dma_start3A_101] : memref<4x4x200xi32, #tpu.memory_space<vmem>> -> memref<1x1x200xi32, #tpu.memory_space<vmem>>
    %dma_start3A_103 = tpu.memref_squeeze %dma_start3A_102 : memref<1x1x200xi32, #tpu.memory_space<vmem>> -> memref<200xi32, #tpu.memory_space<vmem>>
    %dma_start3A_104 = arith.constant 0 : i32
    %dma_start3A_105 = arith.constant 0 : i32
    %dma_start3A_106 = tpu.memref_slice %arg3[%dma_start3A_104, %dma_start3A_105] : memref<1000000x32xf32, #tpu.memory_space<hbm>> -> memref<1000000x32xf32, #tpu.memory_space<hbm>>
    %dma_start3A_107 = tpu.memref_slice %arg7[%dma_start3A_96] : memref<4x!tpu.dma_semaphore, #tpu.memory_space<semaphore_mem>> -> memref<1x!tpu.dma_semaphore, #tpu.memory_space<semaphore_mem>>
    %dma_start3A_108 = tpu.memref_squeeze %dma_start3A_107 : memref<1x!tpu.dma_semaphore, #tpu.memory_space<semaphore_mem>> -> memref<!tpu.dma_semaphore, #tpu.memory_space<semaphore_mem>>
    tpu.enqueue_indirect_dma source(%dma_start3A_106 : memref<1000000x32xf32, #tpu.memory_space<hbm>>) target(%dma_start3A_100 : memref<200x32xf32, #tpu.memory_space<vmem>>) offsets(%dma_start3A_103 : memref<200xi32, #tpu.memory_space<vmem>>) semaphore(%dma_start3A_108 : memref<!tpu.dma_semaphore, #tpu.memory_space<semaphore_mem>>)
    %dma_start3A_109 = arith.constant 1 : i32
    %dma_start3A_110 = arith.constant 2 : i32
    %dma_start3A_111 = arith.constant 1 : i32
    %dma_start3A_112 = arith.constant 2 : i32
    %dma_start3A_113 = arith.constant 1 : i32
    %dma_start3A_114 = arith.constant 0 : i32
    %dma_start3A_115 = arith.constant 0 : i32
    %dma_start3A_116 = tpu.memref_slice %arg6[%dma_start3A_111, %dma_start3A_112, %dma_start3A_114, %dma_start3A_115] : memref<4x4x200x32xf32, #tpu.memory_space<vmem>> -> memref<1x1x200x32xf32, #tpu.memory_space<vmem>>
    %dma_start3A_117 = tpu.memref_squeeze %dma_start3A_116 : memref<1x1x200x32xf32, #tpu.memory_space<vmem>> -> memref<200x32xf32, #tpu.memory_space<vmem>>
    %dma_start3A_118 = arith.constant 0 : i32
    %dma_start3A_119 = tpu.memref_slice %arg5[%dma_start3A_109, %dma_start3A_110, %dma_start3A_118] : memref<4x4x200xi32, #tpu.memory_space<vmem>> -> memref<1x1x200xi32, #tpu.memory_space<vmem>>
    %dma_start3A_120 = tpu.memref_squeeze %dma_start3A_119 : memref<1x1x200xi32, #tpu.memory_space<vmem>> -> memref<200xi32, #tpu.memory_space<vmem>>
    %dma_start3A_121 = arith.constant 0 : i32
    %dma_start3A_122 = arith.constant 0 : i32
    %dma_start3A_123 = tpu.memref_slice %arg3[%dma_start3A_121, %dma_start3A_122] : memref<1000000x32xf32, #tpu.memory_space<hbm>> -> memref<1000000x32xf32, #tpu.memory_space<hbm>>
    %dma_start3A_124 = tpu.memref_slice %arg7[%dma_start3A_113] : memref<4x!tpu.dma_semaphore, #tpu.memory_space<semaphore_mem>> -> memref<1x!tpu.dma_semaphore, #tpu.memory_space<semaphore_mem>>
    %dma_start3A_125 = tpu.memref_squeeze %dma_start3A_124 : memref<1x!tpu.dma_semaphore, #tpu.memory_space<semaphore_mem>> -> memref<!tpu.dma_semaphore, #tpu.memory_space<semaphore_mem>>
    tpu.enqueue_indirect_dma source(%dma_start3A_123 : memref<1000000x32xf32, #tpu.memory_space<hbm>>) target(%dma_start3A_117 : memref<200x32xf32, #tpu.memory_space<vmem>>) offsets(%dma_start3A_120 : memref<200xi32, #tpu.memory_space<vmem>>) semaphore(%dma_start3A_125 : memref<!tpu.dma_semaphore, #tpu.memory_space<semaphore_mem>>)
    %dma_start3A_126 = arith.constant 1 : i32
    %dma_start3A_127 = arith.constant 3 : i32
    %dma_start3A_128 = arith.constant 1 : i32
    %dma_start3A_129 = arith.constant 3 : i32
    %dma_start3A_130 = arith.constant 1 : i32
    %dma_start3A_131 = arith.constant 0 : i32
    %dma_start3A_132 = arith.constant 0 : i32
    %dma_start3A_133 = tpu.memref_slice %arg6[%dma_start3A_128, %dma_start3A_129, %dma_start3A_131, %dma_start3A_132] : memref<4x4x200x32xf32, #tpu.memory_space<vmem>> -> memref<1x1x200x32xf32, #tpu.memory_space<vmem>>
    %dma_start3A_134 = tpu.memref_squeeze %dma_start3A_133 : memref<1x1x200x32xf32, #tpu.memory_space<vmem>> -> memref<200x32xf32, #tpu.memory_space<vmem>>
    %dma_start3A_135 = arith.constant 0 : i32
    %dma_start3A_136 = tpu.memref_slice %arg5[%dma_start3A_126, %dma_start3A_127, %dma_start3A_135] : memref<4x4x200xi32, #tpu.memory_space<vmem>> -> memref<1x1x200xi32, #tpu.memory_space<vmem>>
    %dma_start3A_137 = tpu.memref_squeeze %dma_start3A_136 : memref<1x1x200xi32, #tpu.memory_space<vmem>> -> memref<200xi32, #tpu.memory_space<vmem>>
    %dma_start3A_138 = arith.constant 0 : i32
    %dma_start3A_139 = arith.constant 0 : i32
    %dma_start3A_140 = tpu.memref_slice %arg3[%dma_start3A_138, %dma_start3A_139] : memref<1000000x32xf32, #tpu.memory_space<hbm>> -> memref<1000000x32xf32, #tpu.memory_space<hbm>>
    %dma_start3A_141 = tpu.memref_slice %arg7[%dma_start3A_130] : memref<4x!tpu.dma_semaphore, #tpu.memory_space<semaphore_mem>> -> memref<1x!tpu.dma_semaphore, #tpu.memory_space<semaphore_mem>>
    %dma_start3A_142 = tpu.memref_squeeze %dma_start3A_141 : memref<1x!tpu.dma_semaphore, #tpu.memory_space<semaphore_mem>> -> memref<!tpu.dma_semaphore, #tpu.memory_space<semaphore_mem>>
    tpu.enqueue_indirect_dma source(%dma_start3A_140 : memref<1000000x32xf32, #tpu.memory_space<hbm>>) target(%dma_start3A_134 : memref<200x32xf32, #tpu.memory_space<vmem>>) offsets(%dma_start3A_137 : memref<200xi32, #tpu.memory_space<vmem>>) semaphore(%dma_start3A_142 : memref<!tpu.dma_semaphore, #tpu.memory_space<semaphore_mem>>)
    %add3A_143 = arith.constant 8 : i32
    %add3A_144 = arith.addi %mul3A_2, %add3A_143 : i32
    %run_scoped3A_145 = arith.constant 2 : i32
    "tpu.region"() ({
      %run_scoped3A_298 = tpu.sem_alloc : memref<!tpu.dma_semaphore, #tpu.memory_space<semaphore_mem>>
      %dma_start3A_299 = arith.constant 0 : i32
      %dma_start3A_300 = arith.constant 0 : i32
      %dma_start3A_301 = tpu.memref_slice %arg5[%run_scoped3A_145, %dma_start3A_299, %dma_start3A_300] : memref<4x4x200xi32, #tpu.memory_space<vmem>> -> memref<1x4x200xi32, #tpu.memory_space<vmem>>
      %dma_start3A_302 = tpu.memref_squeeze %dma_start3A_301 : memref<1x4x200xi32, #tpu.memory_space<vmem>> -> memref<4x200xi32, #tpu.memory_space<vmem>>
      %dma_start3A_303 = arith.constant 0 : i32
      %dma_start3A_304 = tpu.memref_slice %arg2[%add3A_144, %dma_start3A_303] : memref<16384x200xi32, #tpu.memory_space<hbm>> -> memref<4x200xi32, #tpu.memory_space<hbm>>
      %dma_start3A_305 = arith.constant 0 : i32
      %dma_start3A_306 = arith.constant 0 : i32
      %dma_start3A_307 = tpu.memref_slice %arg5[%run_scoped3A_145, %dma_start3A_305, %dma_start3A_306] : memref<4x4x200xi32, #tpu.memory_space<vmem>> -> memref<1x4x200xi32, #tpu.memory_space<vmem>>
      %dma_start3A_308 = tpu.memref_squeeze %dma_start3A_307 : memref<1x4x200xi32, #tpu.memory_space<vmem>> -> memref<4x200xi32, #tpu.memory_space<vmem>>
      %dma_start3A_309 = arith.constant 0 : i32
      %dma_start3A_310 = tpu.memref_slice %arg2[%add3A_144, %dma_start3A_309] : memref<16384x200xi32, #tpu.memory_space<hbm>> -> memref<4x200xi32, #tpu.memory_space<hbm>>
      tpu.enqueue_dma source(%dma_start3A_310 : memref<4x200xi32, #tpu.memory_space<hbm>>) target(%dma_start3A_308 : memref<4x200xi32, #tpu.memory_space<vmem>>) target_semaphore(%run_scoped3A_298 : memref<!tpu.dma_semaphore, #tpu.memory_space<semaphore_mem>>)
      %dma_wait3A_311 = arith.constant 0 : i32
      %dma_wait3A_312 = arith.constant 0 : i32
      %dma_wait3A_313 = tpu.memref_slice %arg5[%run_scoped3A_145, %dma_wait3A_311, %dma_wait3A_312] : memref<4x4x200xi32, #tpu.memory_space<vmem>> -> memref<1x4x200xi32, #tpu.memory_space<vmem>>
      %dma_wait3A_314 = tpu.memref_squeeze %dma_wait3A_313 : memref<1x4x200xi32, #tpu.memory_space<vmem>> -> memref<4x200xi32, #tpu.memory_space<vmem>>
      %dma_wait3A_315 = arith.constant 0 : i32
      %dma_wait3A_316 = tpu.memref_slice %arg2[%add3A_144, %dma_wait3A_315] : memref<16384x200xi32, #tpu.memory_space<hbm>> -> memref<4x200xi32, #tpu.memory_space<hbm>>
      %dma_wait3A_317 = arith.constant 0 : i32
      %dma_wait3A_318 = arith.constant 0 : i32
      %dma_wait3A_319 = tpu.memref_slice %arg5[%run_scoped3A_145, %dma_wait3A_317, %dma_wait3A_318] : memref<4x4x200xi32, #tpu.memory_space<vmem>> -> memref<1x4x200xi32, #tpu.memory_space<vmem>>
      %dma_wait3A_320 = tpu.memref_squeeze %dma_wait3A_319 : memref<1x4x200xi32, #tpu.memory_space<vmem>> -> memref<4x200xi32, #tpu.memory_space<vmem>>
      %dma_wait3A_321 = arith.constant 0 : i32
      %dma_wait3A_322 = tpu.memref_slice %arg2[%add3A_144, %dma_wait3A_321] : memref<16384x200xi32, #tpu.memory_space<hbm>> -> memref<4x200xi32, #tpu.memory_space<hbm>>
      tpu.wait_dma2 semaphore(%run_scoped3A_298 : memref<!tpu.dma_semaphore, #tpu.memory_space<semaphore_mem>>) src(%dma_wait3A_322 : memref<4x200xi32, #tpu.memory_space<hbm>>) dst(%dma_wait3A_320 : memref<4x200xi32, #tpu.memory_space<vmem>>)
      tpu.yield
    }) : () -> ()
    %dma_start3A_146 = arith.constant 2 : i32
    %dma_start3A_147 = arith.constant 0 : i32
    %dma_start3A_148 = arith.constant 2 : i32
    %dma_start3A_149 = arith.constant 0 : i32
    %dma_start3A_150 = arith.constant 2 : i32
    %dma_start3A_151 = arith.constant 0 : i32
    %dma_start3A_152 = arith.constant 0 : i32
    %dma_start3A_153 = tpu.memref_slice %arg6[%dma_start3A_148, %dma_start3A_149, %dma_start3A_151, %dma_start3A_152] : memref<4x4x200x32xf32, #tpu.memory_space<vmem>> -> memref<1x1x200x32xf32, #tpu.memory_space<vmem>>
    %dma_start3A_154 = tpu.memref_squeeze %dma_start3A_153 : memref<1x1x200x32xf32, #tpu.memory_space<vmem>> -> memref<200x32xf32, #tpu.memory_space<vmem>>
    %dma_start3A_155 = arith.constant 0 : i32
    %dma_start3A_156 = tpu.memref_slice %arg5[%dma_start3A_146, %dma_start3A_147, %dma_start3A_155] : memref<4x4x200xi32, #tpu.memory_space<vmem>> -> memref<1x1x200xi32, #tpu.memory_space<vmem>>
    %dma_start3A_157 = tpu.memref_squeeze %dma_start3A_156 : memref<1x1x200xi32, #tpu.memory_space<vmem>> -> memref<200xi32, #tpu.memory_space<vmem>>
    %dma_start3A_158 = arith.constant 0 : i32
    %dma_start3A_159 = arith.constant 0 : i32
    %dma_start3A_160 = tpu.memref_slice %arg3[%dma_start3A_158, %dma_start3A_159] : memref<1000000x32xf32, #tpu.memory_space<hbm>> -> memref<1000000x32xf32, #tpu.memory_space<hbm>>
    %dma_start3A_161 = tpu.memref_slice %arg7[%dma_start3A_150] : memref<4x!tpu.dma_semaphore, #tpu.memory_space<semaphore_mem>> -> memref<1x!tpu.dma_semaphore, #tpu.memory_space<semaphore_mem>>
    %dma_start3A_162 = tpu.memref_squeeze %dma_start3A_161 : memref<1x!tpu.dma_semaphore, #tpu.memory_space<semaphore_mem>> -> memref<!tpu.dma_semaphore, #tpu.memory_space<semaphore_mem>>
    tpu.enqueue_indirect_dma source(%dma_start3A_160 : memref<1000000x32xf32, #tpu.memory_space<hbm>>) target(%dma_start3A_154 : memref<200x32xf32, #tpu.memory_space<vmem>>) offsets(%dma_start3A_157 : memref<200xi32, #tpu.memory_space<vmem>>) semaphore(%dma_start3A_162 : memref<!tpu.dma_semaphore, #tpu.memory_space<semaphore_mem>>)
    %dma_start3A_163 = arith.constant 2 : i32
    %dma_start3A_164 = arith.constant 1 : i32
    %dma_start3A_165 = arith.constant 2 : i32
    %dma_start3A_166 = arith.constant 1 : i32
    %dma_start3A_167 = arith.constant 2 : i32
    %dma_start3A_168 = arith.constant 0 : i32
    %dma_start3A_169 = arith.constant 0 : i32
    %dma_start3A_170 = tpu.memref_slice %arg6[%dma_start3A_165, %dma_start3A_166, %dma_start3A_168, %dma_start3A_169] : memref<4x4x200x32xf32, #tpu.memory_space<vmem>> -> memref<1x1x200x32xf32, #tpu.memory_space<vmem>>
    %dma_start3A_171 = tpu.memref_squeeze %dma_start3A_170 : memref<1x1x200x32xf32, #tpu.memory_space<vmem>> -> memref<200x32xf32, #tpu.memory_space<vmem>>
    %dma_start3A_172 = arith.constant 0 : i32
    %dma_start3A_173 = tpu.memref_slice %arg5[%dma_start3A_163, %dma_start3A_164, %dma_start3A_172] : memref<4x4x200xi32, #tpu.memory_space<vmem>> -> memref<1x1x200xi32, #tpu.memory_space<vmem>>
    %dma_start3A_174 = tpu.memref_squeeze %dma_start3A_173 : memref<1x1x200xi32, #tpu.memory_space<vmem>> -> memref<200xi32, #tpu.memory_space<vmem>>
    %dma_start3A_175 = arith.constant 0 : i32
    %dma_start3A_176 = arith.constant 0 : i32
    %dma_start3A_177 = tpu.memref_slice %arg3[%dma_start3A_175, %dma_start3A_176] : memref<1000000x32xf32, #tpu.memory_space<hbm>> -> memref<1000000x32xf32, #tpu.memory_space<hbm>>
    %dma_start3A_178 = tpu.memref_slice %arg7[%dma_start3A_167] : memref<4x!tpu.dma_semaphore, #tpu.memory_space<semaphore_mem>> -> memref<1x!tpu.dma_semaphore, #tpu.memory_space<semaphore_mem>>
    %dma_start3A_179 = tpu.memref_squeeze %dma_start3A_178 : memref<1x!tpu.dma_semaphore, #tpu.memory_space<semaphore_mem>> -> memref<!tpu.dma_semaphore, #tpu.memory_space<semaphore_mem>>
    tpu.enqueue_indirect_dma source(%dma_start3A_177 : memref<1000000x32xf32, #tpu.memory_space<hbm>>) target(%dma_start3A_171 : memref<200x32xf32, #tpu.memory_space<vmem>>) offsets(%dma_start3A_174 : memref<200xi32, #tpu.memory_space<vmem>>) semaphore(%dma_start3A_179 : memref<!tpu.dma_semaphore, #tpu.memory_space<semaphore_mem>>)
    %dma_start3A_180 = arith.constant 2 : i32
    %dma_start3A_181 = arith.constant 2 : i32
    %dma_start3A_182 = arith.constant 2 : i32
    %dma_start3A_183 = arith.constant 2 : i32
    %dma_start3A_184 = arith.constant 2 : i32
    %dma_start3A_185 = arith.constant 0 : i32
    %dma_start3A_186 = arith.constant 0 : i32
    %dma_start3A_187 = tpu.memref_slice %arg6[%dma_start3A_182, %dma_start3A_183, %dma_start3A_185, %dma_start3A_186] : memref<4x4x200x32xf32, #tpu.memory_space<vmem>> -> memref<1x1x200x32xf32, #tpu.memory_space<vmem>>
    %dma_start3A_188 = tpu.memref_squeeze %dma_start3A_187 : memref<1x1x200x32xf32, #tpu.memory_space<vmem>> -> memref<200x32xf32, #tpu.memory_space<vmem>>
    %dma_start3A_189 = arith.constant 0 : i32
    %dma_start3A_190 = tpu.memref_slice %arg5[%dma_start3A_180, %dma_start3A_181, %dma_start3A_189] : memref<4x4x200xi32, #tpu.memory_space<vmem>> -> memref<1x1x200xi32, #tpu.memory_space<vmem>>
    %dma_start3A_191 = tpu.memref_squeeze %dma_start3A_190 : memref<1x1x200xi32, #tpu.memory_space<vmem>> -> memref<200xi32, #tpu.memory_space<vmem>>
    %dma_start3A_192 = arith.constant 0 : i32
    %dma_start3A_193 = arith.constant 0 : i32
    %dma_start3A_194 = tpu.memref_slice %arg3[%dma_start3A_192, %dma_start3A_193] : memref<1000000x32xf32, #tpu.memory_space<hbm>> -> memref<1000000x32xf32, #tpu.memory_space<hbm>>
    %dma_start3A_195 = tpu.memref_slice %arg7[%dma_start3A_184] : memref<4x!tpu.dma_semaphore, #tpu.memory_space<semaphore_mem>> -> memref<1x!tpu.dma_semaphore, #tpu.memory_space<semaphore_mem>>
    %dma_start3A_196 = tpu.memref_squeeze %dma_start3A_195 : memref<1x!tpu.dma_semaphore, #tpu.memory_space<semaphore_mem>> -> memref<!tpu.dma_semaphore, #tpu.memory_space<semaphore_mem>>
    tpu.enqueue_indirect_dma source(%dma_start3A_194 : memref<1000000x32xf32, #tpu.memory_space<hbm>>) target(%dma_start3A_188 : memref<200x32xf32, #tpu.memory_space<vmem>>) offsets(%dma_start3A_191 : memref<200xi32, #tpu.memory_space<vmem>>) semaphore(%dma_start3A_196 : memref<!tpu.dma_semaphore, #tpu.memory_space<semaphore_mem>>)
    %dma_start3A_197 = arith.constant 2 : i32
    %dma_start3A_198 = arith.constant 3 : i32
    %dma_start3A_199 = arith.constant 2 : i32
    %dma_start3A_200 = arith.constant 3 : i32
    %dma_start3A_201 = arith.constant 2 : i32
    %dma_start3A_202 = arith.constant 0 : i32
    %dma_start3A_203 = arith.constant 0 : i32
    %dma_start3A_204 = tpu.memref_slice %arg6[%dma_start3A_199, %dma_start3A_200, %dma_start3A_202, %dma_start3A_203] : memref<4x4x200x32xf32, #tpu.memory_space<vmem>> -> memref<1x1x200x32xf32, #tpu.memory_space<vmem>>
    %dma_start3A_205 = tpu.memref_squeeze %dma_start3A_204 : memref<1x1x200x32xf32, #tpu.memory_space<vmem>> -> memref<200x32xf32, #tpu.memory_space<vmem>>
    %dma_start3A_206 = arith.constant 0 : i32
    %dma_start3A_207 = tpu.memref_slice %arg5[%dma_start3A_197, %dma_start3A_198, %dma_start3A_206] : memref<4x4x200xi32, #tpu.memory_space<vmem>> -> memref<1x1x200xi32, #tpu.memory_space<vmem>>
    %dma_start3A_208 = tpu.memref_squeeze %dma_start3A_207 : memref<1x1x200xi32, #tpu.memory_space<vmem>> -> memref<200xi32, #tpu.memory_space<vmem>>
    %dma_start3A_209 = arith.constant 0 : i32
    %dma_start3A_210 = arith.constant 0 : i32
    %dma_start3A_211 = tpu.memref_slice %arg3[%dma_start3A_209, %dma_start3A_210] : memref<1000000x32xf32, #tpu.memory_space<hbm>> -> memref<1000000x32xf32, #tpu.memory_space<hbm>>
    %dma_start3A_212 = tpu.memref_slice %arg7[%dma_start3A_201] : memref<4x!tpu.dma_semaphore, #tpu.memory_space<semaphore_mem>> -> memref<1x!tpu.dma_semaphore, #tpu.memory_space<semaphore_mem>>
    %dma_start3A_213 = tpu.memref_squeeze %dma_start3A_212 : memref<1x!tpu.dma_semaphore, #tpu.memory_space<semaphore_mem>> -> memref<!tpu.dma_semaphore, #tpu.memory_space<semaphore_mem>>
    tpu.enqueue_indirect_dma source(%dma_start3A_211 : memref<1000000x32xf32, #tpu.memory_space<hbm>>) target(%dma_start3A_205 : memref<200x32xf32, #tpu.memory_space<vmem>>) offsets(%dma_start3A_208 : memref<200xi32, #tpu.memory_space<vmem>>) semaphore(%dma_start3A_213 : memref<!tpu.dma_semaphore, #tpu.memory_space<semaphore_mem>>)
    %scan3A = arith.constant 0 : i32
    %scan3A_214 = arith.constant 0 : i32
    %scan3A_215 = arith.constant 128 : i32
    %scan3A_216 = arith.addi %scan3A_214, %scan3A_215 : i32
    %scan3A_217 = arith.constant 1 : i32
    scf.for %scan3A_298 = %scan3A_214 to %scan3A_216 step %scan3A_217  : i32 {
      %rem3A = arith.constant 4 : i32
      %rem3A_299 = arith.remsi %scan3A_298, %rem3A : i32
      %add3A_300 = arith.constant 4 : i32
      %add3A_301 = arith.addi %scan3A_298, %add3A_300 : i32
      %sub3A = arith.constant 1 : i32
      %sub3A_302 = arith.subi %add3A_301, %sub3A : i32
      %rem3A_303 = arith.constant 4 : i32
      %rem3A_304 = arith.remsi %sub3A_302, %rem3A_303 : i32
      %lt3A = arith.constant 128 : i32
      %lt3A_305 = arith.cmpi slt, %sub3A_302, %lt3A : i32
      %convert_element_type3A = arith.extui %lt3A_305 : i1 to i32
      %cond3A = arith.constant 0 : i32
      %cond3A_306 = arith.cmpi ne, %convert_element_type3A, %cond3A : i32
      scf.if %cond3A_306 {
        %gt3A = arith.constant 0 : i32
        %gt3A_384 = arith.cmpi sgt, %scan3A_298, %gt3A : i32
        %convert_element_type3A_385 = arith.extui %gt3A_384 : i1 to i32
        %cond3A_386 = arith.constant 0 : i32
        %cond3A_387 = arith.cmpi ne, %convert_element_type3A_385, %cond3A_386 : i32
        scf.if %cond3A_387 {
          %dma_wait3A_447 = arith.constant 0 : i32
          %dma_wait3A_448 = arith.constant 0 : i32
          %dma_wait3A_449 = arith.constant 0 : i32
          %dma_wait3A_450 = tpu.memref_slice %arg6[%rem3A_304, %dma_wait3A_447, %dma_wait3A_448, %dma_wait3A_449] : memref<4x4x200x32xf32, #tpu.memory_space<vmem>> -> memref<1x4x200x32xf32, #tpu.memory_space<vmem>>
          %dma_wait3A_451 = tpu.memref_squeeze %dma_wait3A_450 : memref<1x4x200x32xf32, #tpu.memory_space<vmem>> -> memref<4x200x32xf32, #tpu.memory_space<vmem>>
          %dma_wait3A_452 = arith.constant 0 : i32
          %dma_wait3A_453 = arith.constant 0 : i32
          %dma_wait3A_454 = tpu.memref_slice %arg4[%mul3A_2, %dma_wait3A_452, %dma_wait3A_453] : memref<16384x200x32xf32, #tpu.memory_space<hbm>> -> memref<4x200x32xf32, #tpu.memory_space<hbm>>
          %dma_wait3A_455 = tpu.memref_slice %arg8[%rem3A_304] : memref<4x!tpu.dma_semaphore, #tpu.memory_space<semaphore_mem>> -> memref<1x!tpu.dma_semaphore, #tpu.memory_space<semaphore_mem>>
          %dma_wait3A_456 = tpu.memref_squeeze %dma_wait3A_455 : memref<1x!tpu.dma_semaphore, #tpu.memory_space<semaphore_mem>> -> memref<!tpu.dma_semaphore, #tpu.memory_space<semaphore_mem>>
          %dma_wait3A_457 = arith.constant 0 : i32
          %dma_wait3A_458 = arith.constant 0 : i32
          %dma_wait3A_459 = tpu.memref_slice %arg4[%mul3A_2, %dma_wait3A_457, %dma_wait3A_458] : memref<16384x200x32xf32, #tpu.memory_space<hbm>> -> memref<4x200x32xf32, #tpu.memory_space<hbm>>
          %dma_wait3A_460 = arith.constant 0 : i32
          %dma_wait3A_461 = arith.constant 0 : i32
          %dma_wait3A_462 = arith.constant 0 : i32
          %dma_wait3A_463 = tpu.memref_slice %arg6[%rem3A_304, %dma_wait3A_460, %dma_wait3A_461, %dma_wait3A_462] : memref<4x4x200x32xf32, #tpu.memory_space<vmem>> -> memref<1x4x200x32xf32, #tpu.memory_space<vmem>>
          %dma_wait3A_464 = tpu.memref_squeeze %dma_wait3A_463 : memref<1x4x200x32xf32, #tpu.memory_space<vmem>> -> memref<4x200x32xf32, #tpu.memory_space<vmem>>
          tpu.wait_dma2 semaphore(%dma_wait3A_456 : memref<!tpu.dma_semaphore, #tpu.memory_space<semaphore_mem>>) src(%dma_wait3A_464 : memref<4x200x32xf32, #tpu.memory_space<vmem>>) dst(%dma_wait3A_459 : memref<4x200x32xf32, #tpu.memory_space<hbm>>)
        } else {
        }
        %mul3A_388 = arith.constant 4 : i32
        %mul3A_389 = arith.muli %sub3A_302, %mul3A_388 : i32
        %add3A_390 = arith.addi %mul3A_2, %mul3A_389 : i32
        "tpu.region"() ({
          %run_scoped3A_447 = tpu.sem_alloc : memref<!tpu.dma_semaphore, #tpu.memory_space<semaphore_mem>>
          %dma_start3A_448 = arith.constant 0 : i32
          %dma_start3A_449 = arith.constant 0 : i32
          %dma_start3A_450 = tpu.memref_slice %arg5[%rem3A_304, %dma_start3A_448, %dma_start3A_449] : memref<4x4x200xi32, #tpu.memory_space<vmem>> -> memref<1x4x200xi32, #tpu.memory_space<vmem>>
          %dma_start3A_451 = tpu.memref_squeeze %dma_start3A_450 : memref<1x4x200xi32, #tpu.memory_space<vmem>> -> memref<4x200xi32, #tpu.memory_space<vmem>>
          %dma_start3A_452 = arith.constant 0 : i32
          %dma_start3A_453 = tpu.memref_slice %arg2[%add3A_390, %dma_start3A_452] : memref<16384x200xi32, #tpu.memory_space<hbm>> -> memref<4x200xi32, #tpu.memory_space<hbm>>
          %dma_start3A_454 = arith.constant 0 : i32
          %dma_start3A_455 = arith.constant 0 : i32
          %dma_start3A_456 = tpu.memref_slice %arg5[%rem3A_304, %dma_start3A_454, %dma_start3A_455] : memref<4x4x200xi32, #tpu.memory_space<vmem>> -> memref<1x4x200xi32, #tpu.memory_space<vmem>>
          %dma_start3A_457 = tpu.memref_squeeze %dma_start3A_456 : memref<1x4x200xi32, #tpu.memory_space<vmem>> -> memref<4x200xi32, #tpu.memory_space<vmem>>
          %dma_start3A_458 = arith.constant 0 : i32
          %dma_start3A_459 = tpu.memref_slice %arg2[%add3A_390, %dma_start3A_458] : memref<16384x200xi32, #tpu.memory_space<hbm>> -> memref<4x200xi32, #tpu.memory_space<hbm>>
          tpu.enqueue_dma source(%dma_start3A_459 : memref<4x200xi32, #tpu.memory_space<hbm>>) target(%dma_start3A_457 : memref<4x200xi32, #tpu.memory_space<vmem>>) target_semaphore(%run_scoped3A_447 : memref<!tpu.dma_semaphore, #tpu.memory_space<semaphore_mem>>)
          %dma_wait3A_460 = arith.constant 0 : i32
          %dma_wait3A_461 = arith.constant 0 : i32
          %dma_wait3A_462 = tpu.memref_slice %arg5[%rem3A_304, %dma_wait3A_460, %dma_wait3A_461] : memref<4x4x200xi32, #tpu.memory_space<vmem>> -> memref<1x4x200xi32, #tpu.memory_space<vmem>>
          %dma_wait3A_463 = tpu.memref_squeeze %dma_wait3A_462 : memref<1x4x200xi32, #tpu.memory_space<vmem>> -> memref<4x200xi32, #tpu.memory_space<vmem>>
          %dma_wait3A_464 = arith.constant 0 : i32
          %dma_wait3A_465 = tpu.memref_slice %arg2[%add3A_390, %dma_wait3A_464] : memref<16384x200xi32, #tpu.memory_space<hbm>> -> memref<4x200xi32, #tpu.memory_space<hbm>>
          %dma_wait3A_466 = arith.constant 0 : i32
          %dma_wait3A_467 = arith.constant 0 : i32
          %dma_wait3A_468 = tpu.memref_slice %arg5[%rem3A_304, %dma_wait3A_466, %dma_wait3A_467] : memref<4x4x200xi32, #tpu.memory_space<vmem>> -> memref<1x4x200xi32, #tpu.memory_space<vmem>>
          %dma_wait3A_469 = tpu.memref_squeeze %dma_wait3A_468 : memref<1x4x200xi32, #tpu.memory_space<vmem>> -> memref<4x200xi32, #tpu.memory_space<vmem>>
          %dma_wait3A_470 = arith.constant 0 : i32
          %dma_wait3A_471 = tpu.memref_slice %arg2[%add3A_390, %dma_wait3A_470] : memref<16384x200xi32, #tpu.memory_space<hbm>> -> memref<4x200xi32, #tpu.memory_space<hbm>>
          tpu.wait_dma2 semaphore(%run_scoped3A_447 : memref<!tpu.dma_semaphore, #tpu.memory_space<semaphore_mem>>) src(%dma_wait3A_471 : memref<4x200xi32, #tpu.memory_space<hbm>>) dst(%dma_wait3A_469 : memref<4x200xi32, #tpu.memory_space<vmem>>)
          tpu.yield
        }) : () -> ()
        %dma_start3A_391 = arith.constant 0 : i32
        %dma_start3A_392 = arith.constant 0 : i32
        %dma_start3A_393 = arith.constant 0 : i32
        %dma_start3A_394 = arith.constant 0 : i32
        %dma_start3A_395 = tpu.memref_slice %arg6[%rem3A_304, %dma_start3A_392, %dma_start3A_393, %dma_start3A_394] : memref<4x4x200x32xf32, #tpu.memory_space<vmem>> -> memref<1x1x200x32xf32, #tpu.memory_space<vmem>>
        %dma_start3A_396 = tpu.memref_squeeze %dma_start3A_395 : memref<1x1x200x32xf32, #tpu.memory_space<vmem>> -> memref<200x32xf32, #tpu.memory_space<vmem>>
        %dma_start3A_397 = arith.constant 0 : i32
        %dma_start3A_398 = tpu.memref_slice %arg5[%rem3A_304, %dma_start3A_391, %dma_start3A_397] : memref<4x4x200xi32, #tpu.memory_space<vmem>> -> memref<1x1x200xi32, #tpu.memory_space<vmem>>
        %dma_start3A_399 = tpu.memref_squeeze %dma_start3A_398 : memref<1x1x200xi32, #tpu.memory_space<vmem>> -> memref<200xi32, #tpu.memory_space<vmem>>
        %dma_start3A_400 = arith.constant 0 : i32
        %dma_start3A_401 = arith.constant 0 : i32
        %dma_start3A_402 = tpu.memref_slice %arg3[%dma_start3A_400, %dma_start3A_401] : memref<1000000x32xf32, #tpu.memory_space<hbm>> -> memref<1000000x32xf32, #tpu.memory_space<hbm>>
        %dma_start3A_403 = tpu.memref_slice %arg7[%rem3A_304] : memref<4x!tpu.dma_semaphore, #tpu.memory_space<semaphore_mem>> -> memref<1x!tpu.dma_semaphore, #tpu.memory_space<semaphore_mem>>
        %dma_start3A_404 = tpu.memref_squeeze %dma_start3A_403 : memref<1x!tpu.dma_semaphore, #tpu.memory_space<semaphore_mem>> -> memref<!tpu.dma_semaphore, #tpu.memory_space<semaphore_mem>>
        tpu.enqueue_indirect_dma source(%dma_start3A_402 : memref<1000000x32xf32, #tpu.memory_space<hbm>>) target(%dma_start3A_396 : memref<200x32xf32, #tpu.memory_space<vmem>>) offsets(%dma_start3A_399 : memref<200xi32, #tpu.memory_space<vmem>>) semaphore(%dma_start3A_404 : memref<!tpu.dma_semaphore, #tpu.memory_space<semaphore_mem>>)
        %dma_start3A_405 = arith.constant 1 : i32
        %dma_start3A_406 = arith.constant 1 : i32
        %dma_start3A_407 = arith.constant 0 : i32
        %dma_start3A_408 = arith.constant 0 : i32
        %dma_start3A_409 = tpu.memref_slice %arg6[%rem3A_304, %dma_start3A_406, %dma_start3A_407, %dma_start3A_408] : memref<4x4x200x32xf32, #tpu.memory_space<vmem>> -> memref<1x1x200x32xf32, #tpu.memory_space<vmem>>
        %dma_start3A_410 = tpu.memref_squeeze %dma_start3A_409 : memref<1x1x200x32xf32, #tpu.memory_space<vmem>> -> memref<200x32xf32, #tpu.memory_space<vmem>>
        %dma_start3A_411 = arith.constant 0 : i32
        %dma_start3A_412 = tpu.memref_slice %arg5[%rem3A_304, %dma_start3A_405, %dma_start3A_411] : memref<4x4x200xi32, #tpu.memory_space<vmem>> -> memref<1x1x200xi32, #tpu.memory_space<vmem>>
        %dma_start3A_413 = tpu.memref_squeeze %dma_start3A_412 : memref<1x1x200xi32, #tpu.memory_space<vmem>> -> memref<200xi32, #tpu.memory_space<vmem>>
        %dma_start3A_414 = arith.constant 0 : i32
        %dma_start3A_415 = arith.constant 0 : i32
        %dma_start3A_416 = tpu.memref_slice %arg3[%dma_start3A_414, %dma_start3A_415] : memref<1000000x32xf32, #tpu.memory_space<hbm>> -> memref<1000000x32xf32, #tpu.memory_space<hbm>>
        %dma_start3A_417 = tpu.memref_slice %arg7[%rem3A_304] : memref<4x!tpu.dma_semaphore, #tpu.memory_space<semaphore_mem>> -> memref<1x!tpu.dma_semaphore, #tpu.memory_space<semaphore_mem>>
        %dma_start3A_418 = tpu.memref_squeeze %dma_start3A_417 : memref<1x!tpu.dma_semaphore, #tpu.memory_space<semaphore_mem>> -> memref<!tpu.dma_semaphore, #tpu.memory_space<semaphore_mem>>
        tpu.enqueue_indirect_dma source(%dma_start3A_416 : memref<1000000x32xf32, #tpu.memory_space<hbm>>) target(%dma_start3A_410 : memref<200x32xf32, #tpu.memory_space<vmem>>) offsets(%dma_start3A_413 : memref<200xi32, #tpu.memory_space<vmem>>) semaphore(%dma_start3A_418 : memref<!tpu.dma_semaphore, #tpu.memory_space<semaphore_mem>>)
        %dma_start3A_419 = arith.constant 2 : i32
        %dma_start3A_420 = arith.constant 2 : i32
        %dma_start3A_421 = arith.constant 0 : i32
        %dma_start3A_422 = arith.constant 0 : i32
        %dma_start3A_423 = tpu.memref_slice %arg6[%rem3A_304, %dma_start3A_420, %dma_start3A_421, %dma_start3A_422] : memref<4x4x200x32xf32, #tpu.memory_space<vmem>> -> memref<1x1x200x32xf32, #tpu.memory_space<vmem>>
        %dma_start3A_424 = tpu.memref_squeeze %dma_start3A_423 : memref<1x1x200x32xf32, #tpu.memory_space<vmem>> -> memref<200x32xf32, #tpu.memory_space<vmem>>
        %dma_start3A_425 = arith.constant 0 : i32
        %dma_start3A_426 = tpu.memref_slice %arg5[%rem3A_304, %dma_start3A_419, %dma_start3A_425] : memref<4x4x200xi32, #tpu.memory_space<vmem>> -> memref<1x1x200xi32, #tpu.memory_space<vmem>>
        %dma_start3A_427 = tpu.memref_squeeze %dma_start3A_426 : memref<1x1x200xi32, #tpu.memory_space<vmem>> -> memref<200xi32, #tpu.memory_space<vmem>>
        %dma_start3A_428 = arith.constant 0 : i32
        %dma_start3A_429 = arith.constant 0 : i32
        %dma_start3A_430 = tpu.memref_slice %arg3[%dma_start3A_428, %dma_start3A_429] : memref<1000000x32xf32, #tpu.memory_space<hbm>> -> memref<1000000x32xf32, #tpu.memory_space<hbm>>
        %dma_start3A_431 = tpu.memref_slice %arg7[%rem3A_304] : memref<4x!tpu.dma_semaphore, #tpu.memory_space<semaphore_mem>> -> memref<1x!tpu.dma_semaphore, #tpu.memory_space<semaphore_mem>>
        %dma_start3A_432 = tpu.memref_squeeze %dma_start3A_431 : memref<1x!tpu.dma_semaphore, #tpu.memory_space<semaphore_mem>> -> memref<!tpu.dma_semaphore, #tpu.memory_space<semaphore_mem>>
        tpu.enqueue_indirect_dma source(%dma_start3A_430 : memref<1000000x32xf32, #tpu.memory_space<hbm>>) target(%dma_start3A_424 : memref<200x32xf32, #tpu.memory_space<vmem>>) offsets(%dma_start3A_427 : memref<200xi32, #tpu.memory_space<vmem>>) semaphore(%dma_start3A_432 : memref<!tpu.dma_semaphore, #tpu.memory_space<semaphore_mem>>)
        %dma_start3A_433 = arith.constant 3 : i32
        %dma_start3A_434 = arith.constant 3 : i32
        %dma_start3A_435 = arith.constant 0 : i32
        %dma_start3A_436 = arith.constant 0 : i32
        %dma_start3A_437 = tpu.memref_slice %arg6[%rem3A_304, %dma_start3A_434, %dma_start3A_435, %dma_start3A_436] : memref<4x4x200x32xf32, #tpu.memory_space<vmem>> -> memref<1x1x200x32xf32, #tpu.memory_space<vmem>>
        %dma_start3A_438 = tpu.memref_squeeze %dma_start3A_437 : memref<1x1x200x32xf32, #tpu.memory_space<vmem>> -> memref<200x32xf32, #tpu.memory_space<vmem>>
        %dma_start3A_439 = arith.constant 0 : i32
        %dma_start3A_440 = tpu.memref_slice %arg5[%rem3A_304, %dma_start3A_433, %dma_start3A_439] : memref<4x4x200xi32, #tpu.memory_space<vmem>> -> memref<1x1x200xi32, #tpu.memory_space<vmem>>
        %dma_start3A_441 = tpu.memref_squeeze %dma_start3A_440 : memref<1x1x200xi32, #tpu.memory_space<vmem>> -> memref<200xi32, #tpu.memory_space<vmem>>
        %dma_start3A_442 = arith.constant 0 : i32
        %dma_start3A_443 = arith.constant 0 : i32
        %dma_start3A_444 = tpu.memref_slice %arg3[%dma_start3A_442, %dma_start3A_443] : memref<1000000x32xf32, #tpu.memory_space<hbm>> -> memref<1000000x32xf32, #tpu.memory_space<hbm>>
        %dma_start3A_445 = tpu.memref_slice %arg7[%rem3A_304] : memref<4x!tpu.dma_semaphore, #tpu.memory_space<semaphore_mem>> -> memref<1x!tpu.dma_semaphore, #tpu.memory_space<semaphore_mem>>
        %dma_start3A_446 = tpu.memref_squeeze %dma_start3A_445 : memref<1x!tpu.dma_semaphore, #tpu.memory_space<semaphore_mem>> -> memref<!tpu.dma_semaphore, #tpu.memory_space<semaphore_mem>>
        tpu.enqueue_indirect_dma source(%dma_start3A_444 : memref<1000000x32xf32, #tpu.memory_space<hbm>>) target(%dma_start3A_438 : memref<200x32xf32, #tpu.memory_space<vmem>>) offsets(%dma_start3A_441 : memref<200xi32, #tpu.memory_space<vmem>>) semaphore(%dma_start3A_446 : memref<!tpu.dma_semaphore, #tpu.memory_space<semaphore_mem>>)
      } else {
      }
      %dma_wait3A_307 = arith.constant 0 : i32
      %dma_wait3A_308 = arith.constant 0 : i32
      %dma_wait3A_309 = arith.constant 0 : i32
      %dma_wait3A_310 = arith.constant 0 : i32
      %dma_wait3A_311 = tpu.memref_slice %arg6[%rem3A_299, %dma_wait3A_308, %dma_wait3A_309, %dma_wait3A_310] : memref<4x4x200x32xf32, #tpu.memory_space<vmem>> -> memref<1x1x200x32xf32, #tpu.memory_space<vmem>>
      %dma_wait3A_312 = tpu.memref_squeeze %dma_wait3A_311 : memref<1x1x200x32xf32, #tpu.memory_space<vmem>> -> memref<200x32xf32, #tpu.memory_space<vmem>>
      %dma_wait3A_313 = arith.constant 0 : i32
      %dma_wait3A_314 = tpu.memref_slice %arg5[%rem3A_299, %dma_wait3A_307, %dma_wait3A_313] : memref<4x4x200xi32, #tpu.memory_space<vmem>> -> memref<1x1x200xi32, #tpu.memory_space<vmem>>
      %dma_wait3A_315 = tpu.memref_squeeze %dma_wait3A_314 : memref<1x1x200xi32, #tpu.memory_space<vmem>> -> memref<200xi32, #tpu.memory_space<vmem>>
      %dma_wait3A_316 = arith.constant 0 : i32
      %dma_wait3A_317 = arith.constant 0 : i32
      %dma_wait3A_318 = tpu.memref_slice %arg3[%dma_wait3A_316, %dma_wait3A_317] : memref<1000000x32xf32, #tpu.memory_space<hbm>> -> memref<1000000x32xf32, #tpu.memory_space<hbm>>
      %dma_wait3A_319 = tpu.memref_slice %arg7[%rem3A_299] : memref<4x!tpu.dma_semaphore, #tpu.memory_space<semaphore_mem>> -> memref<1x!tpu.dma_semaphore, #tpu.memory_space<semaphore_mem>>
      %dma_wait3A_320 = tpu.memref_squeeze %dma_wait3A_319 : memref<1x!tpu.dma_semaphore, #tpu.memory_space<semaphore_mem>> -> memref<!tpu.dma_semaphore, #tpu.memory_space<semaphore_mem>>
      tpu.wait_indirect_dma semaphore(%dma_wait3A_320 : memref<!tpu.dma_semaphore, #tpu.memory_space<semaphore_mem>>) src(%dma_wait3A_318 : memref<1000000x32xf32, #tpu.memory_space<hbm>>) dst(%dma_wait3A_312 : memref<200x32xf32, #tpu.memory_space<vmem>>)
      %dma_wait3A_321 = arith.constant 1 : i32
      %dma_wait3A_322 = arith.constant 1 : i32
      %dma_wait3A_323 = arith.constant 0 : i32
      %dma_wait3A_324 = arith.constant 0 : i32
      %dma_wait3A_325 = tpu.memref_slice %arg6[%rem3A_299, %dma_wait3A_322, %dma_wait3A_323, %dma_wait3A_324] : memref<4x4x200x32xf32, #tpu.memory_space<vmem>> -> memref<1x1x200x32xf32, #tpu.memory_space<vmem>>
      %dma_wait3A_326 = tpu.memref_squeeze %dma_wait3A_325 : memref<1x1x200x32xf32, #tpu.memory_space<vmem>> -> memref<200x32xf32, #tpu.memory_space<vmem>>
      %dma_wait3A_327 = arith.constant 0 : i32
      %dma_wait3A_328 = tpu.memref_slice %arg5[%rem3A_299, %dma_wait3A_321, %dma_wait3A_327] : memref<4x4x200xi32, #tpu.memory_space<vmem>> -> memref<1x1x200xi32, #tpu.memory_space<vmem>>
      %dma_wait3A_329 = tpu.memref_squeeze %dma_wait3A_328 : memref<1x1x200xi32, #tpu.memory_space<vmem>> -> memref<200xi32, #tpu.memory_space<vmem>>
      %dma_wait3A_330 = arith.constant 0 : i32
      %dma_wait3A_331 = arith.constant 0 : i32
      %dma_wait3A_332 = tpu.memref_slice %arg3[%dma_wait3A_330, %dma_wait3A_331] : memref<1000000x32xf32, #tpu.memory_space<hbm>> -> memref<1000000x32xf32, #tpu.memory_space<hbm>>
      %dma_wait3A_333 = tpu.memref_slice %arg7[%rem3A_299] : memref<4x!tpu.dma_semaphore, #tpu.memory_space<semaphore_mem>> -> memref<1x!tpu.dma_semaphore, #tpu.memory_space<semaphore_mem>>
      %dma_wait3A_334 = tpu.memref_squeeze %dma_wait3A_333 : memref<1x!tpu.dma_semaphore, #tpu.memory_space<semaphore_mem>> -> memref<!tpu.dma_semaphore, #tpu.memory_space<semaphore_mem>>
      tpu.wait_indirect_dma semaphore(%dma_wait3A_334 : memref<!tpu.dma_semaphore, #tpu.memory_space<semaphore_mem>>) src(%dma_wait3A_332 : memref<1000000x32xf32, #tpu.memory_space<hbm>>) dst(%dma_wait3A_326 : memref<200x32xf32, #tpu.memory_space<vmem>>)
      %dma_wait3A_335 = arith.constant 2 : i32
      %dma_wait3A_336 = arith.constant 2 : i32
      %dma_wait3A_337 = arith.constant 0 : i32
      %dma_wait3A_338 = arith.constant 0 : i32
      %dma_wait3A_339 = tpu.memref_slice %arg6[%rem3A_299, %dma_wait3A_336, %dma_wait3A_337, %dma_wait3A_338] : memref<4x4x200x32xf32, #tpu.memory_space<vmem>> -> memref<1x1x200x32xf32, #tpu.memory_space<vmem>>
      %dma_wait3A_340 = tpu.memref_squeeze %dma_wait3A_339 : memref<1x1x200x32xf32, #tpu.memory_space<vmem>> -> memref<200x32xf32, #tpu.memory_space<vmem>>
      %dma_wait3A_341 = arith.constant 0 : i32
      %dma_wait3A_342 = tpu.memref_slice %arg5[%rem3A_299, %dma_wait3A_335, %dma_wait3A_341] : memref<4x4x200xi32, #tpu.memory_space<vmem>> -> memref<1x1x200xi32, #tpu.memory_space<vmem>>
      %dma_wait3A_343 = tpu.memref_squeeze %dma_wait3A_342 : memref<1x1x200xi32, #tpu.memory_space<vmem>> -> memref<200xi32, #tpu.memory_space<vmem>>
      %dma_wait3A_344 = arith.constant 0 : i32
      %dma_wait3A_345 = arith.constant 0 : i32
      %dma_wait3A_346 = tpu.memref_slice %arg3[%dma_wait3A_344, %dma_wait3A_345] : memref<1000000x32xf32, #tpu.memory_space<hbm>> -> memref<1000000x32xf32, #tpu.memory_space<hbm>>
      %dma_wait3A_347 = tpu.memref_slice %arg7[%rem3A_299] : memref<4x!tpu.dma_semaphore, #tpu.memory_space<semaphore_mem>> -> memref<1x!tpu.dma_semaphore, #tpu.memory_space<semaphore_mem>>
      %dma_wait3A_348 = tpu.memref_squeeze %dma_wait3A_347 : memref<1x!tpu.dma_semaphore, #tpu.memory_space<semaphore_mem>> -> memref<!tpu.dma_semaphore, #tpu.memory_space<semaphore_mem>>
      tpu.wait_indirect_dma semaphore(%dma_wait3A_348 : memref<!tpu.dma_semaphore, #tpu.memory_space<semaphore_mem>>) src(%dma_wait3A_346 : memref<1000000x32xf32, #tpu.memory_space<hbm>>) dst(%dma_wait3A_340 : memref<200x32xf32, #tpu.memory_space<vmem>>)
      %dma_wait3A_349 = arith.constant 3 : i32
      %dma_wait3A_350 = arith.constant 3 : i32
      %dma_wait3A_351 = arith.constant 0 : i32
      %dma_wait3A_352 = arith.constant 0 : i32
      %dma_wait3A_353 = tpu.memref_slice %arg6[%rem3A_299, %dma_wait3A_350, %dma_wait3A_351, %dma_wait3A_352] : memref<4x4x200x32xf32, #tpu.memory_space<vmem>> -> memref<1x1x200x32xf32, #tpu.memory_space<vmem>>
      %dma_wait3A_354 = tpu.memref_squeeze %dma_wait3A_353 : memref<1x1x200x32xf32, #tpu.memory_space<vmem>> -> memref<200x32xf32, #tpu.memory_space<vmem>>
      %dma_wait3A_355 = arith.constant 0 : i32
      %dma_wait3A_356 = tpu.memref_slice %arg5[%rem3A_299, %dma_wait3A_349, %dma_wait3A_355] : memref<4x4x200xi32, #tpu.memory_space<vmem>> -> memref<1x1x200xi32, #tpu.memory_space<vmem>>
      %dma_wait3A_357 = tpu.memref_squeeze %dma_wait3A_356 : memref<1x1x200xi32, #tpu.memory_space<vmem>> -> memref<200xi32, #tpu.memory_space<vmem>>
      %dma_wait3A_358 = arith.constant 0 : i32
      %dma_wait3A_359 = arith.constant 0 : i32
      %dma_wait3A_360 = tpu.memref_slice %arg3[%dma_wait3A_358, %dma_wait3A_359] : memref<1000000x32xf32, #tpu.memory_space<hbm>> -> memref<1000000x32xf32, #tpu.memory_space<hbm>>
      %dma_wait3A_361 = tpu.memref_slice %arg7[%rem3A_299] : memref<4x!tpu.dma_semaphore, #tpu.memory_space<semaphore_mem>> -> memref<1x!tpu.dma_semaphore, #tpu.memory_space<semaphore_mem>>
      %dma_wait3A_362 = tpu.memref_squeeze %dma_wait3A_361 : memref<1x!tpu.dma_semaphore, #tpu.memory_space<semaphore_mem>> -> memref<!tpu.dma_semaphore, #tpu.memory_space<semaphore_mem>>
      tpu.wait_indirect_dma semaphore(%dma_wait3A_362 : memref<!tpu.dma_semaphore, #tpu.memory_space<semaphore_mem>>) src(%dma_wait3A_360 : memref<1000000x32xf32, #tpu.memory_space<hbm>>) dst(%dma_wait3A_354 : memref<200x32xf32, #tpu.memory_space<vmem>>)
      %mul3A_363 = arith.constant 4 : i32
      %mul3A_364 = arith.muli %scan3A_298, %mul3A_363 : i32
      %add3A_365 = arith.addi %mul3A_2, %mul3A_364 : i32
      %dma_start3A_366 = arith.constant 0 : i32
      %dma_start3A_367 = arith.constant 0 : i32
      %dma_start3A_368 = arith.constant 0 : i32
      %dma_start3A_369 = tpu.memref_slice %arg6[%rem3A_299, %dma_start3A_366, %dma_start3A_367, %dma_start3A_368] : memref<4x4x200x32xf32, #tpu.memory_space<vmem>> -> memref<1x4x200x32xf32, #tpu.memory_space<vmem>>
      %dma_start3A_370 = tpu.memref_squeeze %dma_start3A_369 : memref<1x4x200x32xf32, #tpu.memory_space<vmem>> -> memref<4x200x32xf32, #tpu.memory_space<vmem>>
      %dma_start3A_371 = arith.constant 0 : i32
      %dma_start3A_372 = arith.constant 0 : i32
      %dma_start3A_373 = tpu.memref_slice %arg4[%add3A_365, %dma_start3A_371, %dma_start3A_372] : memref<16384x200x32xf32, #tpu.memory_space<hbm>> -> memref<4x200x32xf32, #tpu.memory_space<hbm>>
      %dma_start3A_374 = tpu.memref_slice %arg8[%rem3A_299] : memref<4x!tpu.dma_semaphore, #tpu.memory_space<semaphore_mem>> -> memref<1x!tpu.dma_semaphore, #tpu.memory_space<semaphore_mem>>
      %dma_start3A_375 = tpu.memref_squeeze %dma_start3A_374 : memref<1x!tpu.dma_semaphore, #tpu.memory_space<semaphore_mem>> -> memref<!tpu.dma_semaphore, #tpu.memory_space<semaphore_mem>>
      %dma_start3A_376 = arith.constant 0 : i32
      %dma_start3A_377 = arith.constant 0 : i32
      %dma_start3A_378 = tpu.memref_slice %arg4[%add3A_365, %dma_start3A_376, %dma_start3A_377] : memref<16384x200x32xf32, #tpu.memory_space<hbm>> -> memref<4x200x32xf32, #tpu.memory_space<hbm>>
      %dma_start3A_379 = arith.constant 0 : i32
      %dma_start3A_380 = arith.constant 0 : i32
      %dma_start3A_381 = arith.constant 0 : i32
      %dma_start3A_382 = tpu.memref_slice %arg6[%rem3A_299, %dma_start3A_379, %dma_start3A_380, %dma_start3A_381] : memref<4x4x200x32xf32, #tpu.memory_space<vmem>> -> memref<1x4x200x32xf32, #tpu.memory_space<vmem>>
      %dma_start3A_383 = tpu.memref_squeeze %dma_start3A_382 : memref<1x4x200x32xf32, #tpu.memory_space<vmem>> -> memref<4x200x32xf32, #tpu.memory_space<vmem>>
      tpu.enqueue_dma source(%dma_start3A_383 : memref<4x200x32xf32, #tpu.memory_space<vmem>>) target(%dma_start3A_378 : memref<4x200x32xf32, #tpu.memory_space<hbm>>) target_semaphore(%dma_start3A_375 : memref<!tpu.dma_semaphore, #tpu.memory_space<semaphore_mem>>)
    }
    %scan3A_218 = arith.constant 128 : i32
    %dma_wait3A = arith.constant 0 : i32
    %dma_wait3A_219 = arith.constant 0 : i32
    %dma_wait3A_220 = arith.constant 0 : i32
    %dma_wait3A_221 = arith.constant 0 : i32
    %dma_wait3A_222 = arith.constant 0 : i32
    %dma_wait3A_223 = tpu.memref_slice %arg6[%dma_wait3A, %dma_wait3A_220, %dma_wait3A_221, %dma_wait3A_222] : memref<4x4x200x32xf32, #tpu.memory_space<vmem>> -> memref<1x4x200x32xf32, #tpu.memory_space<vmem>>
    %dma_wait3A_224 = tpu.memref_squeeze %dma_wait3A_223 : memref<1x4x200x32xf32, #tpu.memory_space<vmem>> -> memref<4x200x32xf32, #tpu.memory_space<vmem>>
    %dma_wait3A_225 = arith.constant 0 : i32
    %dma_wait3A_226 = arith.constant 0 : i32
    %dma_wait3A_227 = tpu.memref_slice %arg4[%mul3A_2, %dma_wait3A_225, %dma_wait3A_226] : memref<16384x200x32xf32, #tpu.memory_space<hbm>> -> memref<4x200x32xf32, #tpu.memory_space<hbm>>
    %dma_wait3A_228 = tpu.memref_slice %arg8[%dma_wait3A_219] : memref<4x!tpu.dma_semaphore, #tpu.memory_space<semaphore_mem>> -> memref<1x!tpu.dma_semaphore, #tpu.memory_space<semaphore_mem>>
    %dma_wait3A_229 = tpu.memref_squeeze %dma_wait3A_228 : memref<1x!tpu.dma_semaphore, #tpu.memory_space<semaphore_mem>> -> memref<!tpu.dma_semaphore, #tpu.memory_space<semaphore_mem>>
    %dma_wait3A_230 = arith.constant 0 : i32
    %dma_wait3A_231 = arith.constant 0 : i32
    %dma_wait3A_232 = tpu.memref_slice %arg4[%mul3A_2, %dma_wait3A_230, %dma_wait3A_231] : memref<16384x200x32xf32, #tpu.memory_space<hbm>> -> memref<4x200x32xf32, #tpu.memory_space<hbm>>
    %dma_wait3A_233 = arith.constant 0 : i32
    %dma_wait3A_234 = arith.constant 0 : i32
    %dma_wait3A_235 = arith.constant 0 : i32
    %dma_wait3A_236 = tpu.memref_slice %arg6[%dma_wait3A, %dma_wait3A_233, %dma_wait3A_234, %dma_wait3A_235] : memref<4x4x200x32xf32, #tpu.memory_space<vmem>> -> memref<1x4x200x32xf32, #tpu.memory_space<vmem>>
    %dma_wait3A_237 = tpu.memref_squeeze %dma_wait3A_236 : memref<1x4x200x32xf32, #tpu.memory_space<vmem>> -> memref<4x200x32xf32, #tpu.memory_space<vmem>>
    tpu.wait_dma2 semaphore(%dma_wait3A_229 : memref<!tpu.dma_semaphore, #tpu.memory_space<semaphore_mem>>) src(%dma_wait3A_237 : memref<4x200x32xf32, #tpu.memory_space<vmem>>) dst(%dma_wait3A_232 : memref<4x200x32xf32, #tpu.memory_space<hbm>>)
    %dma_wait3A_238 = arith.constant 1 : i32
    %dma_wait3A_239 = arith.constant 1 : i32
    %dma_wait3A_240 = arith.constant 0 : i32
    %dma_wait3A_241 = arith.constant 0 : i32
    %dma_wait3A_242 = arith.constant 0 : i32
    %dma_wait3A_243 = tpu.memref_slice %arg6[%dma_wait3A_238, %dma_wait3A_240, %dma_wait3A_241, %dma_wait3A_242] : memref<4x4x200x32xf32, #tpu.memory_space<vmem>> -> memref<1x4x200x32xf32, #tpu.memory_space<vmem>>
    %dma_wait3A_244 = tpu.memref_squeeze %dma_wait3A_243 : memref<1x4x200x32xf32, #tpu.memory_space<vmem>> -> memref<4x200x32xf32, #tpu.memory_space<vmem>>
    %dma_wait3A_245 = arith.constant 0 : i32
    %dma_wait3A_246 = arith.constant 0 : i32
    %dma_wait3A_247 = tpu.memref_slice %arg4[%mul3A_2, %dma_wait3A_245, %dma_wait3A_246] : memref<16384x200x32xf32, #tpu.memory_space<hbm>> -> memref<4x200x32xf32, #tpu.memory_space<hbm>>
    %dma_wait3A_248 = tpu.memref_slice %arg8[%dma_wait3A_239] : memref<4x!tpu.dma_semaphore, #tpu.memory_space<semaphore_mem>> -> memref<1x!tpu.dma_semaphore, #tpu.memory_space<semaphore_mem>>
    %dma_wait3A_249 = tpu.memref_squeeze %dma_wait3A_248 : memref<1x!tpu.dma_semaphore, #tpu.memory_space<semaphore_mem>> -> memref<!tpu.dma_semaphore, #tpu.memory_space<semaphore_mem>>
    %dma_wait3A_250 = arith.constant 0 : i32
    %dma_wait3A_251 = arith.constant 0 : i32
    %dma_wait3A_252 = tpu.memref_slice %arg4[%mul3A_2, %dma_wait3A_250, %dma_wait3A_251] : memref<16384x200x32xf32, #tpu.memory_space<hbm>> -> memref<4x200x32xf32, #tpu.memory_space<hbm>>
    %dma_wait3A_253 = arith.constant 0 : i32
    %dma_wait3A_254 = arith.constant 0 : i32
    %dma_wait3A_255 = arith.constant 0 : i32
    %dma_wait3A_256 = tpu.memref_slice %arg6[%dma_wait3A_238, %dma_wait3A_253, %dma_wait3A_254, %dma_wait3A_255] : memref<4x4x200x32xf32, #tpu.memory_space<vmem>> -> memref<1x4x200x32xf32, #tpu.memory_space<vmem>>
    %dma_wait3A_257 = tpu.memref_squeeze %dma_wait3A_256 : memref<1x4x200x32xf32, #tpu.memory_space<vmem>> -> memref<4x200x32xf32, #tpu.memory_space<vmem>>
    tpu.wait_dma2 semaphore(%dma_wait3A_249 : memref<!tpu.dma_semaphore, #tpu.memory_space<semaphore_mem>>) src(%dma_wait3A_257 : memref<4x200x32xf32, #tpu.memory_space<vmem>>) dst(%dma_wait3A_252 : memref<4x200x32xf32, #tpu.memory_space<hbm>>)
    %dma_wait3A_258 = arith.constant 2 : i32
    %dma_wait3A_259 = arith.constant 2 : i32
    %dma_wait3A_260 = arith.constant 0 : i32
    %dma_wait3A_261 = arith.constant 0 : i32
    %dma_wait3A_262 = arith.constant 0 : i32
    %dma_wait3A_263 = tpu.memref_slice %arg6[%dma_wait3A_258, %dma_wait3A_260, %dma_wait3A_261, %dma_wait3A_262] : memref<4x4x200x32xf32, #tpu.memory_space<vmem>> -> memref<1x4x200x32xf32, #tpu.memory_space<vmem>>
    %dma_wait3A_264 = tpu.memref_squeeze %dma_wait3A_263 : memref<1x4x200x32xf32, #tpu.memory_space<vmem>> -> memref<4x200x32xf32, #tpu.memory_space<vmem>>
    %dma_wait3A_265 = arith.constant 0 : i32
    %dma_wait3A_266 = arith.constant 0 : i32
    %dma_wait3A_267 = tpu.memref_slice %arg4[%mul3A_2, %dma_wait3A_265, %dma_wait3A_266] : memref<16384x200x32xf32, #tpu.memory_space<hbm>> -> memref<4x200x32xf32, #tpu.memory_space<hbm>>
    %dma_wait3A_268 = tpu.memref_slice %arg8[%dma_wait3A_259] : memref<4x!tpu.dma_semaphore, #tpu.memory_space<semaphore_mem>> -> memref<1x!tpu.dma_semaphore, #tpu.memory_space<semaphore_mem>>
    %dma_wait3A_269 = tpu.memref_squeeze %dma_wait3A_268 : memref<1x!tpu.dma_semaphore, #tpu.memory_space<semaphore_mem>> -> memref<!tpu.dma_semaphore, #tpu.memory_space<semaphore_mem>>
    %dma_wait3A_270 = arith.constant 0 : i32
    %dma_wait3A_271 = arith.constant 0 : i32
    %dma_wait3A_272 = tpu.memref_slice %arg4[%mul3A_2, %dma_wait3A_270, %dma_wait3A_271] : memref<16384x200x32xf32, #tpu.memory_space<hbm>> -> memref<4x200x32xf32, #tpu.memory_space<hbm>>
    %dma_wait3A_273 = arith.constant 0 : i32
    %dma_wait3A_274 = arith.constant 0 : i32
    %dma_wait3A_275 = arith.constant 0 : i32
    %dma_wait3A_276 = tpu.memref_slice %arg6[%dma_wait3A_258, %dma_wait3A_273, %dma_wait3A_274, %dma_wait3A_275] : memref<4x4x200x32xf32, #tpu.memory_space<vmem>> -> memref<1x4x200x32xf32, #tpu.memory_space<vmem>>
    %dma_wait3A_277 = tpu.memref_squeeze %dma_wait3A_276 : memref<1x4x200x32xf32, #tpu.memory_space<vmem>> -> memref<4x200x32xf32, #tpu.memory_space<vmem>>
    tpu.wait_dma2 semaphore(%dma_wait3A_269 : memref<!tpu.dma_semaphore, #tpu.memory_space<semaphore_mem>>) src(%dma_wait3A_277 : memref<4x200x32xf32, #tpu.memory_space<vmem>>) dst(%dma_wait3A_272 : memref<4x200x32xf32, #tpu.memory_space<hbm>>)
    %dma_wait3A_278 = arith.constant 3 : i32
    %dma_wait3A_279 = arith.constant 3 : i32
    %dma_wait3A_280 = arith.constant 0 : i32
    %dma_wait3A_281 = arith.constant 0 : i32
    %dma_wait3A_282 = arith.constant 0 : i32
    %dma_wait3A_283 = tpu.memref_slice %arg6[%dma_wait3A_278, %dma_wait3A_280, %dma_wait3A_281, %dma_wait3A_282] : memref<4x4x200x32xf32, #tpu.memory_space<vmem>> -> memref<1x4x200x32xf32, #tpu.memory_space<vmem>>
    %dma_wait3A_284 = tpu.memref_squeeze %dma_wait3A_283 : memref<1x4x200x32xf32, #tpu.memory_space<vmem>> -> memref<4x200x32xf32, #tpu.memory_space<vmem>>
    %dma_wait3A_285 = arith.constant 0 : i32
    %dma_wait3A_286 = arith.constant 0 : i32
    %dma_wait3A_287 = tpu.memref_slice %arg4[%mul3A_2, %dma_wait3A_285, %dma_wait3A_286] : memref<16384x200x32xf32, #tpu.memory_space<hbm>> -> memref<4x200x32xf32, #tpu.memory_space<hbm>>
    %dma_wait3A_288 = tpu.memref_slice %arg8[%dma_wait3A_279] : memref<4x!tpu.dma_semaphore, #tpu.memory_space<semaphore_mem>> -> memref<1x!tpu.dma_semaphore, #tpu.memory_space<semaphore_mem>>
    %dma_wait3A_289 = tpu.memref_squeeze %dma_wait3A_288 : memref<1x!tpu.dma_semaphore, #tpu.memory_space<semaphore_mem>> -> memref<!tpu.dma_semaphore, #tpu.memory_space<semaphore_mem>>
    %dma_wait3A_290 = arith.constant 0 : i32
    %dma_wait3A_291 = arith.constant 0 : i32
    %dma_wait3A_292 = tpu.memref_slice %arg4[%mul3A_2, %dma_wait3A_290, %dma_wait3A_291] : memref<16384x200x32xf32, #tpu.memory_space<hbm>> -> memref<4x200x32xf32, #tpu.memory_space<hbm>>
    %dma_wait3A_293 = arith.constant 0 : i32
    %dma_wait3A_294 = arith.constant 0 : i32
    %dma_wait3A_295 = arith.constant 0 : i32
    %dma_wait3A_296 = tpu.memref_slice %arg6[%dma_wait3A_278, %dma_wait3A_293, %dma_wait3A_294, %dma_wait3A_295] : memref<4x4x200x32xf32, #tpu.memory_space<vmem>> -> memref<1x4x200x32xf32, #tpu.memory_space<vmem>>
    %dma_wait3A_297 = tpu.memref_squeeze %dma_wait3A_296 : memref<1x4x200x32xf32, #tpu.memory_space<vmem>> -> memref<4x200x32xf32, #tpu.memory_space<vmem>>
    tpu.wait_dma2 semaphore(%dma_wait3A_289 : memref<!tpu.dma_semaphore, #tpu.memory_space<semaphore_mem>>) src(%dma_wait3A_297 : memref<4x200x32xf32, #tpu.memory_space<vmem>>) dst(%dma_wait3A_292 : memref<4x200x32xf32, #tpu.memory_space<hbm>>)
    return
  }
}

</mosaic_0001>

<sc_bundles>
// kernel: kernel.3.cloned.1.call-start
scs
__scs_entry_jumppad:
0x0: {  	(pc) =	sbr.rel $0x88, $3  }
0x1: {  	(tag) =	ssettag $0x0;
	lr =	simm.s32 $0x1  }
0x2: {  	[smem:$0x3F9F] =	sst lr;
	_ =	strace $0xD0000000  }
0x3: {  	_ = 	snop  }
0x4: {  	_ = 	snop  }
0x5: {  	_ = 	snop  }
0x6: {  	_ = 	snop  }
0x7: {  	_ = 	snop  }
__scs_overlays_trampoline_lowered:
0x8: {  	[smem:$0x3FAE] =	sst s0  }
0x9: {  	[smem:$0x3FAF] =	sst s1  }
0xa: {  	[smem:$0x3FB0] =	sst s2  }
0xb: {  	[smem:$0x3FB1] =	sst s3  }
0xc: {  	[smem:$0x3FB2] =	sst s4  }
0xd: {  	[smem:$0x3FB3] =	sst s5  }
0xe: {  	[smem:$0x3FB4] =	sst s6  }
0xf: {  	[smem:$0x3FB5] =	sst s7  }
0x10: {  	[smem:$0x3FB6] =	sst s8  }
0x11: {  	[smem:$0x3FB7] =	sst s9;
	s0 =	simm.s32 @!p0 $0x0  }
0x12: {  	s1 =	sld [smem:$0x3F9D];
	s0 =	simm.s32 @p0 $0x1  }
0x13: {  	[smem:$0x3FB8] =	sst s0;
	s0 =	simm.s32 @!p1 $0x0  }
0x14: {  	s2 =	sld [smem:$0x3F9C];
	s0 =	simm.s32 @p1 $0x1  }
0x15: {  	[smem:$0x3FB9] =	sst s0;
	s0 =	simm.s32 @!p2 $0x0  }
0x16: {  	s3 =	sld [smem:$0x3FDB];
	s0 =	simm.s32 @p2 $0x1  }
0x17: {  	s4 =	simm.s32 $0x1BF5;
	[smem:$0x3FBB] =	sst s0  }
0x18: {  	s0 =	sld [smem:$0x3F9E];
	_ =	swait.ge [sflag:s4], $0x0  }
0x19: {  	s7 =	sld [smem:$0x3F9F]  }
0x1a: {  	s8 =	sadd.s32 $0xFFFFE003, lr  }
0x1b: {  	s9 =	sadd.s32 $0xFFFFFEF7, lr;
	s5 =	simm.s32 $0xFFFFFFFF;
	p2 =	slt.u32 s8, $0xFFFFF086  }
0x1c: {  	p1 =	slt.u32 s9, $0xF7A;
	s5 =	simm.s32 @!p2 $0x0  }
0x1d: {  	s5 =	simm.s32 @p1 $0x1;
	p0 =	seq.s32 s7, s2  }
0x1e: {  	s7 =	smul.u32 @!p0 $0xF7A, s2;
	p2 =	seq.s32 @!p0 s5, $0x0  }
0x1f: {  	s9 =	smul.u32 $0xF7A, s1;
	s8 =	simm.s32 @!p0 $0x1BF5;
	p2 =	por !p2, p0  }
0x20: {  	[sflag:s8] =	ssyncset.s32 @!p0 $0xFFFFF086;
	s6 =	sadd.s32 @!p0 s3, s7;
	s7 =	simm.s32 @!p0 $0x108  }
0x21: {  	s3 =	sadd.s32 s3, s9;
	s6 =	sadd.s32 @!p0 $0x88, s6;
	s7 =	simm.s32 @p2 $0x1082  }
0x22: {  	[simem:s7], [sflag:s8] =	dma.local @!p0 [hbm:s6], $0xF7A  }
0x23: {  	s9 =	sor.u32 $0xD0000000, s2;
	s6 =	simm.s32 $0x108;
	_ =	swait.ge @!p0 [sflag:s8], $0x0  }
0x24: {  	s3 =	sadd.s32 $0x88, s3;
	s6 =	simm.s32 @!p1 $0x1082;
	[sflag:s4] =	ssyncset.s32 $0xFFFFF086  }
0x25: {  	[simem:s6], [sflag:s4] =	dma.local [hbm:s3], $0xF7A  }
0x26: {  	[smem:$0x3F9F] =	sst s1;
	(tag) =	ssettag s2;
	_ =	strace s9  }
0x27: {  	s1 =	sld [smem:$0x3FAF]  }
0x28: {  	s2 =	sld [smem:$0x3FB0]  }
0x29: {  	s4 =	sld [smem:$0x3FB2]  }
0x2a: {  	p0 =	seq.s32 s5, $0x0;
	s5 =	sld [smem:$0x3FB3]  }
0x2b: {  	s6 =	sld [smem:$0x3FB4]  }
0x2c: {  	s7 =	sld [smem:$0x3FB5]  }
0x2d: {  	s3 =	simm.s32 $0x108;
	s8 =	sld [smem:$0x3FB6]  }
0x2e: {  	s3 =	simm.s32 @!p0 $0x1082;
	s9 =	sld [smem:$0x3FB7]  }
0x2f: {  	lr =	sadd.s32 s0, s3;
	s0 =	sld [smem:$0x3FAE]  }
0x30: {  	s3 =	sld [smem:$0x3FB1]  }
0x31: {  	[smem:$0x3FBA] =	sst s10  }
0x32: {  	s10 =	sld [smem:$0x3FB8];
	_ =	sdelay $0x3  }
0x33: {  	p0 =	seq.s32 s10, $0x1;
	s10 =	sld [smem:$0x3FBA];
	_ =	sdelay $0x3  }
0x34: {  	[smem:$0x3FBA] =	sst s10  }
0x35: {  	s10 =	sld [smem:$0x3FB9];
	_ =	sdelay $0x3  }
0x36: {  	p1 =	seq.s32 s10, $0x1;
	s10 =	sld [smem:$0x3FBA];
	_ =	sdelay $0x3  }
0x37: {  	[smem:$0x3FBA] =	sst s10  }
0x38: {  	s10 =	sld [smem:$0x3FBB]  }
0x39: {  	_ = 	snop;
	(pc) =	sbr.ind lr, $3  }
0x3a: {  	_ = 	snop  }
0x3b: {  	_ = 	snop  }
0x3c: {  	p2 =	seq.s32 s10, $0x1;
	s10 =	sld [smem:$0x3FBA]  }
0x3d: {  	_ =	shalt  }
0x3e: {  	_ =	shalt  }
0x3f: {  	_ =	shalt  }
0x40: {  	_ =	shalt  }
0x41: {  	_ =	shalt  }
0x42: {  	_ =	shalt  }
0x43: {  	_ =	shalt  }
0x44: {  	_ =	shalt  }
0x45: {  	_ =	shalt  }
0x46: {  	_ =	shalt  }
0x47: {  	_ =	shalt  }
0x48: {  	_ =	shalt  }
0x49: {  	_ =	shalt  }
0x4a: {  	_ =	shalt  }
0x4b: {  	_ =	shalt  }
0x4c: {  	_ =	shalt  }
0x4d: {  	_ =	shalt  }
0x4e: {  	_ =	shalt  }
0x4f: {  	_ =	shalt  }
0x50: {  	_ =	shalt  }
0x51: {  	_ =	shalt  }
0x52: {  	_ =	shalt  }
0x53: {  	_ =	shalt  }
0x54: {  	_ =	shalt  }
0x55: {  	_ =	shalt  }
0x56: {  	_ =	shalt  }
0x57: {  	_ =	shalt  }
0x58: {  	_ =	shalt  }
0x59: {  	_ =	shalt  }
0x5a: {  	_ =	shalt  }
0x5b: {  	_ =	shalt  }
0x5c: {  	_ =	shalt  }
0x5d: {  	_ =	shalt  }
0x5e: {  	_ =	shalt  }
0x5f: {  	_ =	shalt  }
0x60: {  	_ =	shalt  }
0x61: {  	_ =	shalt  }
0x62: {  	_ =	shalt  }
0x63: {  	_ =	shalt  }
0x64: {  	_ =	shalt  }
0x65: {  	_ =	shalt  }
0x66: {  	_ =	shalt  }
0x67: {  	_ =	shalt  }
0x68: {  	_ =	shalt  }
0x69: {  	_ =	shalt  }
0x6a: {  	_ =	shalt  }
0x6b: {  	_ =	shalt  }
0x6c: {  	_ =	shalt  }
0x6d: {  	_ =	shalt  }
0x6e: {  	_ =	shalt  }
0x6f: {  	_ =	shalt  }
0x70: {  	_ =	shalt  }
0x71: {  	_ =	shalt  }
0x72: {  	_ =	shalt  }
0x73: {  	_ =	shalt  }
0x74: {  	_ =	shalt  }
0x75: {  	_ =	shalt  }
0x76: {  	_ =	shalt  }
0x77: {  	_ =	shalt  }
0x78: {  	_ =	shalt  }
0x79: {  	_ =	shalt  }
0x7a: {  	_ =	shalt  }
0x7b: {  	_ =	shalt  }
0x7c: {  	_ =	shalt  }
0x7d: {  	_ =	shalt  }
0x7e: {  	_ =	shalt  }
0x7f: {  	_ =	shalt  }
0x80: {  	_ =	shalt  }
0x81: {  	_ =	shalt  }
0x82: {  	_ =	shalt  }
0x83: {  	_ =	shalt  }
0x84: {  	_ =	shalt  }
0x85: {  	_ =	shalt  }
0x86: {  	_ =	shalt  }
0x87: {  	_ =	shalt  }
.Lfunc_end0:
.L_simem_size_0:
called_computation.1_lowered:
.L_overlay_start_0:
0x88: {  	s2 =	sld [smem:$0x3FD9]  }
0x89: {  	s3 =	sld [smem:$0x3FFE];
	_ =	sdelay $0x1  }
0x8a: {  	s1 =	srdreg.scid  }
0x8b: {  	s0 =	sand.u32 $0x1, s1  }
0x8c: {  	s17 =	sshll.u32 s0, $0xA;
	s2 =	sadd.s32 s3, s2  }
0x8d: {  	s2 =	sadd.s32 s2, s17  }
0x8e: {  	[smem:$0x3FC6] =	sst s2  }
0x8f: {  	_ = 	snop  }
0x90: {  	s2 =	sld [smem:$0x3FD0];
	(tm) =	ssettm $0x1  }
0x91: {  	s18 =	sld [smem:$0x3FFB];
	_ =	sdelay $0x3  }
0x92: {  	_ =	strace s18  }
0x93: {  	s3 =	sld [smem:$0x3FFC];
	_ =	sdelay $0x3  }
0x94: {  	_ =	strace s3  }
0x95: {  	s3 =	sld [smem:$0x3FFD];
	_ =	sdelay $0x3  }
0x96: {  	_ =	strace s3  }
0x97: {  	_ =	strace $0x8FFFFFFF  }
0x98: {  	s19 =	sld [smem:$0x3FDB];
	_ =	sdelay $0x1  }
0x99: {  	s4 =	simm.s32 $_scs_section_size  }
0x9a: {  	s5 =	simm.s32 $_size__tile_overlayer_lowered;
	s6 =	simm.s32 $_tile_overlayer_lowered  }
0x9b: {  	s22 =	simm.s32 $0x1BFF;
	s21 =	sshll.u32 s6, $0x1;
	s3 =	sadd.s32 s4, s19  }
0x9c: {  	s7 =	simm.s32 $0x0;
	s20 =	sshll.u32 s5, $0x1;
	s5 =	sadd.s32 s21, s3  }
0x9d: {  	[timem:s7], [sflag:s22] =	dma.local [hbm:s5], s20  }
0x9e: {  	_ =	swait.ge [sflag:s22], s20  }
0x9f: {  	s4 =	ssub.s32 $0x0, s20;
	[sflag:s22] =	ssyncset.done $0x0  }
0xa0: {  	[sflag:s22] =	ssyncadd.s32 s4;
	_ =	sdelay $0x1  }
0xa1: {  	s23 =	simm.s32 $0x1B8B  }
0xa2: {  	_ =	swait.ge [sflag:s23], $0x1  }
0xa3: {  	[sflag:s23] =	ssyncset.done $0x0  }
0xa4: {  	s25 =	simm.s32 $0x1B8E;
	s24 =	sld [smem:$0x3FFE];
	[sflag:s23] =	ssyncadd.s32 $0xFFFFFFFF  }
0xa5: {  	s26 =	simm.s32 $execute0_lowered;
	[smem:$0x3FD2] =	sst s25  }
0xa6: {  	s5 =	sshll.u32 s26, $0x1;
	_ =	strace $0x80000046;
	[dreg:$0x1] =	wrdreg $0xFFFFFFFF  }
0xa7: {  	s28 =	simm.s32 $_size_execute0_lowered;
	s3 =	sadd.s32 s3, s5;
	[dreg:$0x0] =	wrdreg $0x0  }
0xa8: {  	s5 =	sshll.u32 s28, $0x1;
	[dreg:$0x2] =	wrdreg s3  }
0xa9: {  	[dreg:$0x3] =	wrdreg s5  }
0xaa: {  	[dreg:$0x4] =	wrdreg $0xC0  }
0xab: {  	_ =	task [dreg:s7], $0x5FFFF  }
0xac: {  	[dreg:$0x1] =	wrdreg $0xFFFFFFFF  }
0xad: {  	[dreg:$0x0] =	wrdreg $0x60  }
0xae: {  	[dreg:$0x2] =	wrdreg s24  }
0xaf: {  	[dreg:$0x3] =	wrdreg s2  }
0xb0: {  	[dreg:$0x4] =	wrdreg $0x9  }
0xb1: {  	_ =	task.clear_ibuf [dreg:s7], $0x5FFFF;
	_ =	strace $0x90000046  }
0xb2: {  	s29 =	simm.s32 $0x9;
	_ =	strace $0x80000048  }
0xb3: {  	_ =	swait.ge [sflag:s29], $0x1  }
0xb4: {  	[sflag:s29] =	ssyncadd.s32 $0xFFFFFFFF  }
0xb5: {  	_ =	strace $0x90000048  }
0xb6: {  	_ =	sfence  }
0xb7: {  	s30 =	sld [smem:$0x0];
	_ =	sdelay $0x2  }
0xb8: {  	s31 =	sshll.u32 s1, $0xD;
	s1 =	sshrl.u32 s1, $0x2  }
0xb9: {  	s3 =	sand.u32 $0x4000, s31;
	s1 =	sadd.s32 s1, s30  }
0xba: {  	s0 =	sor.u32 s3, s0;
	s1 =	sshll.u32 s1, $0x11  }
0xbb: {  	s0 =	sor.u32 s1, s0  }
0xbc: {  	s0 =	sadd.s32 $0x8F2B, s0  }
0xbd: {  	[sflag:s0] =	ssyncadd.remote.s32 $0x1  }
0xbe: {  	_ =	sfence.sel $0xFFFF  }
0xbf: {  	[dreg:$0x0] =	wrdreg $0xFFFFFFFF;
	(pc) =	sbr.abs _section_cstart, $3  }
0xc0: {  	[dreg:$0x1] =	wrdreg $0xFFFFFFFF  }
0xc1: {  	_ =	task.clear_ibuf [dreg:s7], $0x2FFFF;
	_ =	strace $0x9FFFFFFF  }
0xc2: {  	(tm) =	ssettm $0x7FFFFFFF  }
0xc3: {  	_ =	shalt  }
tec
execute0_lowered:
.L_overlay_start_1:
0x0: {  	(tag) =	ssettag $0x1  }
0x1: {  	s0 =	rddreg [dreg:$0x0]  }
0x2: {  	s1 =	rddreg [dreg:$0x1]  }
0x3: {  	s2 =	srdreg.scid;
	s7 =	stileid.u32;
	s13 =	simm.s32 $0xC8  }
0x4: {  	s29 =	simm.s32 $0x640;
	s18 =	simm.s32 $0x960;
	s28 =	simm.s32 $0x1  }
0x5: {  	s30 =	simm.s32 $0x5;
	s31 =	simm.s32 $0x6;
	s15 =	simm.s32 $0x0  }
0x6: {  	s5 =	sand.u32 $0x1, s2;
	s2 =	simm.s32 $0x0;
	s8 =	smul.u32 $0xC8000, s7  }
0x7: {  	s3 =	sshll.u32 s7, $0xA;
	s9 =	sadd.s32 $0x800, s0;
	s12 =	smul.u32 $0x6400, s7  }
0x8: {  	s4 =	sshll.u32 s5, $0x9;
	[smem:$0x7FF] =	sst s2;
	s11 =	smul.u32 $0x64000, s5  }
0x9: {  	s6 =	ssub.s32 $0x2, s5;
	s5 =	smul.u32 $0x3200, s5;
	s3 =	sor.u32 s4, s3  }
0xa: {  	_ =	strace $0x80000047;
	s20 =	sshrl.u32 s6, $0x1;
	s23 =	sadd.s32 s8, s1  }
0xb: {  	s25 =	sadd.s32 s12, s9;
	s12 =	simm.s32 $0x9;
	s4 =	smul.u32 $0x19, s3  }
0xc: {  	s10 =	smul.u32 $0x320, s3;
	s3 =	sadd.s32 $0xFA6C00, s0;
	s0 =	ssub.s32 s6, s20  }
0xd: {  	s26 =	sadd.s32 s5, s25;
	s20 =	simm.s32 $0x320;
	s0 =	smax.u32 s0, $0x1  }
0xe: {  	s4 =	sadd.s32 s9, s4;
	[dreg:$0x5] =	wrdreg s0;
	s1 =	sadd.s32 s1, s10  }
0xf: {  	s0 =	sadd.s32 s11, s23;
	s21 =	sadd.s32 $0x64, s4;
	[dreg:$0x7] =	wrdreg s1  }
0x10: {  	s11 =	sadd.s32 $0x190, s26;
	s22 =	sadd.s32 $0xC8, s4;
	[dreg:$0x3] =	wrdreg s21  }
0x11: {  	s24 =	sadd.s32 $0x12C, s4;
	s1 =	simm.s32 $0x8;
	[dreg:$0x4] =	wrdreg s22  }
0x12: {  	[dreg:$0x6] =	wrdreg s24;
	s24 =	sadd.s32 $0xC80, s0;
	s0 =	simm.s32 $0x7  }
.LBB2_1:
0x13: {  	[tilespmem:s2], [sflag:$0x9] =	stream.linear.gather [hbm4b:s4+s2], $0x320, $0x38;
	[tilespmem:$0x19C80] =	vst v63  }
0x14: {  	_ =	swait.ge [sflag:s12], $0x320  }
0x15: {  	[sflag:s12] =	ssyncset.done $0x0  }
0x16: {  	s6 =	simm.s32 $0xC80;
	[sflag:s12] =	ssyncadd.s32 $0xFFFFFCE0  }
0x17: {  	[tilespmem:s6], [sflag:$0x1] =	stream.indirect.gather [hbm4b:s3+s13], $0x20, s2, s13, $0xb8;
	[tilespmem:$0x19C80] =	vst v63  }
0x18: {  	s5 =	simm.s32 $0x2580  }
0x19: {  	[tilespmem:s5], [sflag:$0x1] =	stream.indirect.gather [hbm4b:s3+s13], $0x20, s13, s13, $0xb8;
	[tilespmem:$0x19C80] =	vst v63  }
0x1a: {  	s8 =	simm.s32 $0x190;
	s7 =	simm.s32 $0x3E80  }
0x1b: {  	[tilespmem:s7], [sflag:$0x1] =	stream.indirect.gather [hbm4b:s3+s13], $0x20, s8, s13, $0xb8;
	[tilespmem:$0x19C80] =	vst v63  }
0x1c: {  	s9 =	simm.s32 $0x258;
	s10 =	simm.s32 $0x5780  }
0x1d: {  	[tilespmem:s10], [sflag:$0x1] =	stream.indirect.gather [hbm4b:s3+s13], $0x20, s9, s13, $0xb8;
	[tilespmem:$0x19C80] =	vst v63  }
0x1e: {  	s14 =	rddreg [dreg:$0x3]  }
0x1f: {  	[tilespmem:s20], [sflag:$0x9] =	stream.linear.gather [hbm4b:s14+s2], $0x320, $0x38;
	[tilespmem:$0x19C80] =	vst v63  }
0x20: {  	_ =	swait.ge [sflag:s12], $0x320  }
0x21: {  	[sflag:s12] =	ssyncset.done $0x0  }
0x22: {  	s16 =	simm.s32 $0x7080;
	[sflag:s12] =	ssyncadd.s32 $0xFFFFFCE0  }
0x23: {  	[tilespmem:s16], [sflag:$0x2] =	stream.indirect.gather [hbm4b:s3+s13], $0x20, s20, s13, $0xb8;
	[tilespmem:$0x19C80] =	vst v63  }
0x24: {  	s17 =	simm.s32 $0x3E8;
	s19 =	simm.s32 $0x8980  }
0x25: {  	[tilespmem:s19], [sflag:$0x2] =	stream.indirect.gather [hbm4b:s3+s13], $0x20, s17, s13, $0xb8;
	[tilespmem:$0x19C80] =	vst v63  }
0x26: {  	s21 =	simm.s32 $0x4B0;
	s22 =	simm.s32 $0xA280  }
0x27: {  	[tilespmem:s22], [sflag:$0x2] =	stream.indirect.gather [hbm4b:s3+s13], $0x20, s21, s13, $0xb8;
	[tilespmem:$0x19C80] =	vst v63  }
0x28: {  	s23 =	simm.s32 $0x578;
	s25 =	simm.s32 $0xBB80  }
0x29: {  	[tilespmem:s25], [sflag:$0x2] =	stream.indirect.gather [hbm4b:s3+s13], $0x20, s23, s13, $0xb8;
	[tilespmem:$0x19C80] =	vst v63  }
0x2a: {  	s26 =	rddreg [dreg:$0x4]  }
0x2b: {  	[tilespmem:s29], [sflag:$0x9] =	stream.linear.gather [hbm4b:s26+s2], $0x320, $0x38;
	[tilespmem:$0x19C80] =	vst v63  }
0x2c: {  	_ =	swait.ge [sflag:s12], $0x320  }
0x2d: {  	[sflag:s12] =	ssyncset.done $0x0  }
0x2e: {  	s7 =	simm.s32 $0xD480;
	[sflag:s12] =	ssyncadd.s32 $0xFFFFFCE0  }
0x2f: {  	[tilespmem:s7], [sflag:$0x3] =	stream.indirect.gather [hbm4b:s3+s13], $0x20, s29, s13, $0xb8;
	[tilespmem:$0x19C80] =	vst v63  }
0x30: {  	s8 =	simm.s32 $0x708;
	s9 =	simm.s32 $0xED80  }
0x31: {  	[tilespmem:s9], [sflag:$0x3] =	stream.indirect.gather [hbm4b:s3+s13], $0x20, s8, s13, $0xb8;
	[tilespmem:$0x19C80] =	vst v63  }
0x32: {  	s10 =	simm.s32 $0x7D0;
	s14 =	simm.s32 $0x10680  }
0x33: {  	[tilespmem:s14], [sflag:$0x3] =	stream.indirect.gather [hbm4b:s3+s13], $0x20, s10, s13, $0xb8;
	[tilespmem:$0x19C80] =	vst v63  }
0x34: {  	s16 =	simm.s32 $0x898;
	s17 =	simm.s32 $0x11F80  }
0x35: {  	[tilespmem:s17], [sflag:$0x3] =	stream.indirect.gather [hbm4b:s3+s13], $0x20, s16, s13, $0xb8;
	[tilespmem:$0x19C80] =	vst v63  }
0x36: {  	s19 =	rddreg [dreg:$0x6]  }
0x37: {  	[tilespmem:s18], [sflag:$0x9] =	stream.linear.gather [hbm4b:s19+s2], $0x320, $0x38;
	[tilespmem:$0x19C80] =	vst v63  }
0x38: {  	_ =	swait.ge [sflag:s12], $0x320  }
0x39: {  	[sflag:s12] =	ssyncset.done $0x0  }
0x3a: {  	s21 =	simm.s32 $0x13880;
	[sflag:s12] =	ssyncadd.s32 $0xFFFFFCE0  }
0x3b: {  	[tilespmem:s21], [sflag:$0x4] =	stream.indirect.gather [hbm4b:s3+s13], $0x20, s18, s13, $0xb8;
	[tilespmem:$0x19C80] =	vst v63  }
0x3c: {  	s22 =	simm.s32 $0xA28;
	s23 =	simm.s32 $0x15180  }
0x3d: {  	[tilespmem:s23], [sflag:$0x4] =	stream.indirect.gather [hbm4b:s3+s13], $0x20, s22, s13, $0xb8;
	[tilespmem:$0x19C80] =	vst v63  }
0x3e: {  	s25 =	simm.s32 $0xAF0;
	s26 =	simm.s32 $0x16A80  }
0x3f: {  	[tilespmem:s26], [sflag:$0x4] =	stream.indirect.gather [hbm4b:s3+s13], $0x20, s25, s13, $0xb8;
	[tilespmem:$0x19C80] =	vst v63  }
0x40: {  	s8 =	simm.s32 $0xBB8;
	s9 =	simm.s32 $0x18380  }
0x41: {  	[tilespmem:s9], [sflag:$0x4] =	stream.indirect.gather [hbm4b:s3+s13], $0x20, s8, s13, $0xb8;
	[tilespmem:$0x19C80] =	vst v63  }
0x42: {  	_ =	swait.ge [sflag:s28], $0x1900  }
0x43: {  	[sflag:s28] =	ssyncset.done $0x0  }
0x44: {  	[sflag:s28] =	ssyncadd.s32 $0xFFFFE700  }
0x45: {  	_ =	swait.ge [sflag:s28], $0x1900  }
0x46: {  	[sflag:s28] =	ssyncset.done $0x0  }
0x47: {  	[sflag:s28] =	ssyncadd.s32 $0xFFFFE700  }
0x48: {  	_ =	swait.ge [sflag:s28], $0x1900  }
0x49: {  	[sflag:s28] =	ssyncset.done $0x0  }
0x4a: {  	[sflag:s28] =	ssyncadd.s32 $0xFFFFE700  }
0x4b: {  	_ =	swait.ge [sflag:s28], $0x1900  }
0x4c: {  	p0 =	por $0x0, $0x0;
	s5 =	simm.s32 $0x4;
	[sflag:s28] =	ssyncset.done $0x0  }
0x4d: {  	s5 =	sand.u32 @!p0 $0x3, s5;
	s10 =	rddreg [dreg:$0x7];
	[sflag:s28] =	ssyncadd.s32 $0xFFFFE700  }
0x4e: {  	[hbm4b:s10+s2] =	stream.linear.scatter [tilespmem:s6], [sflag:$0x5], $0x6400, $0x38;
	[tilespmem:$0x19C80] =	vst v63  }
0x4f: {  	s10 =	sadd.s32 @!p0 $0x5, s5  }
0x50: {  	s16 =	smul.u32 @!p0 $0xC80, s5;
	_ =	swait.ge @!p0 [sflag:s10], $0x6400  }
0x51: {  	s17 =	simm.s32 @!p0 $0x9;
	s19 =	smul.u32 @!p0 $0x19000, s5;
	[sflag:s10] =	ssyncset.done @!p0 $0x0  }
0x52: {  	[sflag:s10] =	ssyncadd.s32 @!p0 $0xFFFF9C00;
	s10 =	sshrl.u32 @!p0 s16, $0x2;
	s16 =	simm.s32 @!p0 $0x0  }
0x53: {  	[tilespmem:s10], [sflag:$0x9] =	stream.linear.gather @!p0 [hbm4b:s11+s16], $0x320, $0x38;
	[tilespmem:$0x19C80] =	vst v63  }
0x54: {  	s19 =	sshrl.u32 @!p0 s19, $0x2;
	_ =	swait.ge @!p0 [sflag:s17], $0x320  }
0x55: {  	s21 =	sadd.s32 @!p0 $0xC80, s19;
	[sflag:s17] =	ssyncset.done @!p0 $0x0  }
0x56: {  	s5 =	sadd.s32 @!p0 $0x1, s5;
	s16 =	simm.s32 @!p0 $0xC8;
	[sflag:s17] =	ssyncadd.s32 @!p0 $0xFFFFFCE0  }
0x57: {  	[tilespmem:s21], [sflag:s5] =	stream.indirect.gather @!p0 [hbm4b:s3+s16], $0x20, s10, s16, $0xb8;
	[tilespmem:$0x19C80] =	vst v63  }
0x58: {  	s14 =	simm.s32 $0x1;
	s22 =	sadd.s32 @!p0 $0x2580, s19;
	s21 =	sadd.s32 @!p0 $0xC8, s10  }
0x59: {  	[tilespmem:s22], [sflag:s5] =	stream.indirect.gather @!p0 [hbm4b:s3+s16], $0x20, s21, s16, $0xb8;
	[tilespmem:$0x19C80] =	vst v63  }
0x5a: {  	s17 =	sand.u32 $0x3, s14;
	s21 =	sadd.s32 @!p0 $0x3E80, s19;
	s22 =	sadd.s32 @!p0 $0x190, s10  }
0x5b: {  	[tilespmem:s21], [sflag:s5] =	stream.indirect.gather @!p0 [hbm4b:s3+s16], $0x20, s22, s16, $0xb8;
	[tilespmem:$0x19C80] =	vst v63  }
0x5c: {  	s23 =	sadd.s32 $0x1, s17;
	s19 =	sadd.s32 @!p0 $0x5780, s19;
	s10 =	sadd.s32 @!p0 $0x258, s10  }
0x5d: {  	[tilespmem:s19], [sflag:s5] =	stream.indirect.gather @!p0 [hbm4b:s3+s16], $0x20, s10, s16, $0xb8;
	[tilespmem:$0x19C80] =	vst v63  }
0x5e: {  	_ =	swait.ge [sflag:s23], $0x1900  }
0x5f: {  	[sflag:s23] =	ssyncset.done $0x0  }
0x60: {  	[sflag:s23] =	ssyncadd.s32 $0xFFFFE700  }
0x61: {  	_ =	swait.ge [sflag:s23], $0x1900  }
0x62: {  	s25 =	simm.s32 $0x2;
	s26 =	sadd.s32 $0x5, s17;
	[sflag:s23] =	ssyncset.done $0x0  }
0x63: {  	s22 =	smul.u32 $0x19000, s17;
	s21 =	simm.s32 $0x6;
	[sflag:s23] =	ssyncadd.s32 $0xFFFFE700  }
0x64: {  	s17 =	sand.u32 $0x3, s25;
	s10 =	simm.s32 $0x5;
	_ =	swait.ge [sflag:s23], $0x1900  }
0x65: {  	s5 =	sshrl.u32 s22, $0x2;
	s19 =	sadd.s32 $0x64, s11;
	[sflag:s23] =	ssyncset.done $0x0  }
0x66: {  	s16 =	sadd.s32 $0xC80, s24;
	p0 =	por $0x0, $0x0;
	[sflag:s23] =	ssyncadd.s32 $0xFFFFE700  }
0x67: {  	s22 =	smul.u32 $0x19000, s17;
	s5 =	sadd.s32 $0xC80, s5;
	_ =	swait.ge [sflag:s23], $0x1900  }
0x68: {  	s25 =	sand.u32 @!p0 $0x3, s10;
	s10 =	smov.u32 s24;
	[sflag:s23] =	ssyncset.done $0x0  }
.LBB2_2:
0x69: {  	s6 =	sadd.s32 @!p0 $0x5, s25;
	s7 =	simm.s32 @!p0 $0xC8;
	[sflag:s23] =	ssyncadd.s32 $0xFFFFE700  }
0x6a: {  	[hbm4b:s10+s2] =	stream.linear.scatter [tilespmem:s5], [sflag:s26], $0x6400, $0x38;
	[tilespmem:$0x19C80] =	vst v63  }
0x6b: {  	s5 =	smul.u32 @!p0 $0xC80, s25;
	s26 =	sadd.s32 @!p0 $0x1, s25;
	_ =	swait.ge @!p0 [sflag:s6], $0x6400  }
0x6c: {  	s23 =	smul.u32 @!p0 $0x19000, s25;
	s10 =	simm.s32 @!p0 $0x9;
	[sflag:s6] =	ssyncset.done @!p0 $0x0  }
0x6d: {  	s5 =	sshrl.u32 @!p0 s5, $0x2;
	[sflag:s6] =	ssyncadd.s32 @!p0 $0xFFFF9C00;
	s6 =	simm.s32 @!p0 $0x0  }
0x6e: {  	[tilespmem:s5], [sflag:$0x9] =	stream.linear.gather @!p0 [hbm4b:s19+s6], $0x320, $0x38;
	[tilespmem:$0x19C80] =	vst v63  }
0x6f: {  	s6 =	sshrl.u32 @!p0 s23, $0x2;
	s23 =	sadd.s32 @!p0 $0xC8, s5;
	_ =	swait.ge @!p0 [sflag:s10], $0x320  }
0x70: {  	s25 =	sadd.s32 @!p0 $0xC80, s6;
	s8 =	sadd.s32 @!p0 $0x2580, s6;
	[sflag:s10] =	ssyncset.done @!p0 $0x0  }
0x71: {  	s14 =	sadd.s32 @!p0 $0x190, s5;
	s9 =	sadd.s32 @!p0 $0x3E80, s6;
	[sflag:s10] =	ssyncadd.s32 @!p0 $0xFFFFFCE0  }
0x72: {  	[tilespmem:s25], [sflag:s26] =	stream.indirect.gather @!p0 [hbm4b:s3+s7], $0x20, s5, s7, $0xb8;
	[tilespmem:$0x19C80] =	vst v63  }
0x73: {  	s22 =	sshrl.u32 s22, $0x2;
	s6 =	sadd.s32 @!p0 $0x5780, s6;
	s5 =	sadd.s32 @!p0 $0x258, s5  }
0x74: {  	[tilespmem:s8], [sflag:s26] =	stream.indirect.gather @!p0 [hbm4b:s3+s7], $0x20, s23, s7, $0xb8;
	[tilespmem:$0x19C80] =	vst v63  }
0x75: {  	s10 =	smov.u32 s16;
	s8 =	smov.u32 s21;
	s21 =	sadd.s32 $0x1, s21  }
0x76: {  	[tilespmem:s9], [sflag:s26] =	stream.indirect.gather @!p0 [hbm4b:s3+s7], $0x20, s14, s7, $0xb8;
	[tilespmem:$0x19C80] =	vst v63  }
0x77: {  	s23 =	sadd.s32 $0x1, s17;
	p1 =	sne.s32 s21, $0x83  }
0x78: {  	[tilespmem:s6], [sflag:s26] =	stream.indirect.gather @!p0 [hbm4b:s3+s7], $0x20, s5, s7, $0xb8;
	[tilespmem:$0x19C80] =	vst v63  }
0x79: {  	_ =	swait.ge [sflag:s23], $0x1900  }
0x7a: {  	[sflag:s23] =	ssyncset.done $0x0  }
0x7b: {  	[sflag:s23] =	ssyncadd.s32 $0xFFFFE700  }
0x7c: {  	_ =	swait.ge [sflag:s23], $0x1900  }
0x7d: {  	[sflag:s23] =	ssyncset.done $0x0  }
0x7e: {  	[sflag:s23] =	ssyncadd.s32 $0xFFFFE700  }
.Ltmp0:
0x7f: {  	s19 =	sadd.s32 $0x64, s19;
	_ =	swait.ge [sflag:s23], $0x1900;
	(pc) =	sbr.rel @p1 .LBB2_2-.Ltmp0, $4  }
0x80: {  	s16 =	sadd.s32 $0xC80, s16;
	s26 =	sadd.s32 $0x5, s17;
	[sflag:s23] =	ssyncset.done $0x0  }
0x81: {  	s6 =	sadd.s32 $0xFFFFFFFD, s8;
	s5 =	sadd.s32 $0xC80, s22;
	[sflag:s23] =	ssyncadd.s32 $0xFFFFE700  }
0x82: {  	s17 =	sand.u32 $0x3, s6;
	p0 =	sgt.u32 s6, $0x7C;
	_ =	swait.ge [sflag:s23], $0x1900  }
0x83: {  	s25 =	sand.u32 @!p0 $0x3, s8;
	s22 =	smul.u32 $0x19000, s17;
	[sflag:s23] =	ssyncset.done $0x0  }
0x84: {  	s6 =	sadd.s32 @!p0 $0x5, s25;
	[sflag:s23] =	ssyncadd.s32 $0xFFFFE700  }
0x85: {  	[hbm4b:s10+s2] =	stream.linear.scatter [tilespmem:s5], [sflag:s26], $0x6400, $0x38;
	[tilespmem:$0x19C80] =	vst v63  }
0x86: {  	s5 =	smul.u32 @!p0 $0xC80, s25;
	_ =	swait.ge @!p0 [sflag:s6], $0x6400  }
0x87: {  	s7 =	simm.s32 @!p0 $0x9;
	s8 =	smul.u32 @!p0 $0x19000, s25;
	[sflag:s6] =	ssyncset.done @!p0 $0x0  }
0x88: {  	s5 =	sshrl.u32 @!p0 s5, $0x2;
	[sflag:s6] =	ssyncadd.s32 @!p0 $0xFFFF9C00;
	s6 =	simm.s32 @!p0 $0x0  }
0x89: {  	[tilespmem:s5], [sflag:$0x9] =	stream.linear.gather @!p0 [hbm4b:s19+s6], $0x320, $0x38;
	[tilespmem:$0x19C80] =	vst v63  }
0x8a: {  	_ =	swait.ge @!p0 [sflag:s7], $0x320  }
0x8b: {  	s9 =	sadd.s32 @!p0 $0x1, s25;
	s8 =	sshrl.u32 @!p0 s8, $0x2;
	[sflag:s7] =	ssyncset.done @!p0 $0x0  }
0x8c: {  	s10 =	sadd.s32 @!p0 $0xC80, s8;
	s6 =	simm.s32 @!p0 $0xC8;
	[sflag:s7] =	ssyncadd.s32 @!p0 $0xFFFFFCE0  }
0x8d: {  	[tilespmem:s10], [sflag:s9] =	stream.indirect.gather @!p0 [hbm4b:s3+s6], $0x20, s5, s6, $0xb8;
	[tilespmem:$0x19C80] =	vst v63  }
0x8e: {  	s7 =	sadd.s32 @!p0 $0xC8, s5;
	s10 =	sadd.s32 @!p0 $0x2580, s8  }
0x8f: {  	[tilespmem:s10], [sflag:s9] =	stream.indirect.gather @!p0 [hbm4b:s3+s6], $0x20, s7, s6, $0xb8;
	[tilespmem:$0x19C80] =	vst v63  }
0x90: {  	s7 =	sadd.s32 @!p0 $0x3E80, s8;
	s10 =	sadd.s32 @!p0 $0x190, s5  }
0x91: {  	[tilespmem:s7], [sflag:s9] =	stream.indirect.gather @!p0 [hbm4b:s3+s6], $0x20, s10, s6, $0xb8;
	[tilespmem:$0x19C80] =	vst v63  }
0x92: {  	s21 =	sadd.s32 $0x1, s17;
	s5 =	sadd.s32 @!p0 $0x258, s5;
	s7 =	sadd.s32 @!p0 $0x5780, s8  }
0x93: {  	[tilespmem:s7], [sflag:s9] =	stream.indirect.gather @!p0 [hbm4b:s3+s6], $0x20, s5, s6, $0xb8;
	[tilespmem:$0x19C80] =	vst v63  }
0x94: {  	_ =	swait.ge [sflag:s21], $0x1900  }
0x95: {  	[sflag:s21] =	ssyncset.done $0x0  }
0x96: {  	[sflag:s21] =	ssyncadd.s32 $0xFFFFE700  }
0x97: {  	_ =	swait.ge [sflag:s21], $0x1900  }
0x98: {  	[sflag:s21] =	ssyncset.done $0x0  }
0x99: {  	[sflag:s21] =	ssyncadd.s32 $0xFFFFE700  }
0x9a: {  	_ =	swait.ge [sflag:s21], $0x1900  }
0x9b: {  	[sflag:s21] =	ssyncset.done $0x0  }
0x9c: {  	[sflag:s21] =	ssyncadd.s32 $0xFFFFE700  }
0x9d: {  	_ =	swait.ge [sflag:s21], $0x1900  }
0x9e: {  	s23 =	sshrl.u32 s22, $0x2;
	[sflag:s21] =	ssyncset.done $0x0  }
0x9f: {  	s25 =	sadd.s32 $0x5, s17;
	s5 =	sadd.s32 $0xC80, s23;
	[sflag:s21] =	ssyncadd.s32 $0xFFFFE700  }
0xa0: {  	[hbm4b:s16+s2] =	stream.linear.scatter [tilespmem:s5], [sflag:s25], $0x6400, $0x38;
	[tilespmem:$0x19C80] =	vst v63  }
0xa1: {  	_ =	swait.ge [sflag:s30], $0x6400  }
0xa2: {  	[sflag:s30] =	ssyncset.done $0x0  }
0xa3: {  	[sflag:s30] =	ssyncadd.s32 $0xFFFF9C00  }
0xa4: {  	_ =	swait.ge [sflag:s31], $0x6400  }
0xa5: {  	[sflag:s31] =	ssyncset.done $0x0  }
0xa6: {  	[sflag:s31] =	ssyncadd.s32 $0xFFFF9C00  }
0xa7: {  	_ =	swait.ge [sflag:s0], $0x6400  }
0xa8: {  	[sflag:s0] =	ssyncset.done $0x0  }
0xa9: {  	[sflag:s0] =	ssyncadd.s32 $0xFFFF9C00  }
0xaa: {  	_ =	swait.ge [sflag:s1], $0x6400  }
0xab: {  	s15 =	sadd.s32 $0x1, s15;
	s26 =	rddreg [dreg:$0x5]  }
0xac: {  	p0 =	sne.s32 s15, s26  }
.Ltmp1:
0xad: {  	_ = 	snop;
	(pc) =	sbr.rel @p0 .LBB2_1-.Ltmp1, $3  }
0xae: {  	_ =	sdelay $0x1  }
0xaf: {  	[sflag:s1] =	ssyncset.done $0x0  }
0xb0: {  	[sflag:s1] =	ssyncadd.s32 $0xFFFF9C00  }
0xb1: {  	_ =	sfence.sel $0x180000  }
0xb2: {  	[bflag:$0x0] =	sbarrier.arrive $0xFFFF  }
0xb3: {  	_ =	strace $0x90000047  }
0xb4: {  	s0 =	stileid.u32;
	[bflag:$0x2] =	sbarrier.arrive $0xFFFF  }
0xb5: {  	p0 =	sne.s32 s0, $0x0;
	s0 =	rddreg [dreg:$0x2]  }
0xb6: {  	s0 =	sadd.s32 @!p0 $0x100000, s0  }
0xb7: {  	[sflag:s0] =	ssyncadd.tile.s32 @!p0 $0x1;
	_ =	shalt  }
.Lfunc_end2:
_tile_overlayer_lowered:
.L_overlay_start_2:
0xb8: {  	(tag) =	ssettag $0x2  }
0xb9: {  	s0 =	rddreg [dreg:$0x0];
	s2 =	stileid.u32  }
0xba: {  	s1 =	rddreg [dreg:$0x1];
	p0 =	sne.s32 s2, $0x0  }
0xbb: {  	s3 =	rddreg [dreg:$0x2];
	[bflag:$0x3] =	sbarrier.arrive $0xFFFF;
	s2 =	simm.s32 @!p0 $0x1C09  }
0xbc: {  	[timem:s3], [sflag:s2] =	dma.local @!p0 [hbm:s0], s1  }
0xbd: {  	s0 =	simm.s32 @!p0 $0x9  }
0xbe: {  	_ =	swait.ge @!p0 [sflag:s0], s1  }
0xbf: {  	s1 =	ssub.s32 @!p0 $0x0, s1;
	[sflag:s0] =	ssyncset.done @!p0 $0x0  }
0xc0: {  	[sflag:s0] =	ssyncadd.s32 @!p0 s1  }
0xc1: {  	[bflag:$0x3] =	sbarrier.arrive $0xFFFF  }
0xc2: {  	_ =	shalt  }

// kernel: sparse-core-data-format-call.cloned.1.call-start
scs
called_computation_lowered:
.L_overlay_start_0:
0x0: {  	s2 =	sld [smem:$0x3FD9]  }
0x1: {  	s3 =	sld [smem:$0x3FFE];
	_ =	sdelay $0x1  }
0x2: {  	s1 =	srdreg.scid  }
0x3: {  	s0 =	sand.u32 $0x1, s1  }
0x4: {  	s18 =	sshll.u32 s0, $0xA;
	s2 =	sadd.s32 s3, s2  }
0x5: {  	s2 =	sadd.s32 s2, s18  }
0x6: {  	[smem:$0x3FC6] =	sst s2  }
0x7: {  	_ = 	snop  }
0x8: {  	s2 =	sld [smem:$0x3FD0];
	(tm) =	ssettm $0x1  }
0x9: {  	s19 =	sld [smem:$0x3FFB];
	_ =	sdelay $0x3  }
0xa: {  	_ =	strace s19  }
0xb: {  	s3 =	sld [smem:$0x3FFC];
	_ =	sdelay $0x3  }
0xc: {  	_ =	strace s3  }
0xd: {  	s3 =	sld [smem:$0x3FFD];
	_ =	sdelay $0x3  }
0xe: {  	_ =	strace s3  }
0xf: {  	_ =	strace $0x8FFFFFFF  }
0x10: {  	s20 =	sld [smem:$0x3FDB];
	_ =	sdelay $0x1  }
0x11: {  	s4 =	simm.s32 $_scs_section_size  }
0x12: {  	s5 =	simm.s32 $_size__tile_overlayer_lowered;
	s6 =	simm.s32 $_tile_overlayer_lowered  }
0x13: {  	s23 =	simm.s32 $0x1BFF;
	s22 =	sshll.u32 s6, $0x1;
	s3 =	sadd.s32 s4, s20  }
0x14: {  	s7 =	simm.s32 $0x0;
	s21 =	sshll.u32 s5, $0x1;
	s5 =	sadd.s32 s22, s3  }
0x15: {  	[timem:s7], [sflag:s23] =	dma.local [hbm:s5], s21  }
0x16: {  	_ =	swait.ge [sflag:s23], s21  }
0x17: {  	s4 =	ssub.s32 $0x0, s21;
	[sflag:s23] =	ssyncset.done $0x0  }
0x18: {  	[sflag:s23] =	ssyncadd.s32 s4;
	_ =	sdelay $0x1  }
0x19: {  	s24 =	simm.s32 $0x1B8B  }
0x1a: {  	_ =	swait.ge [sflag:s24], $0x1  }
0x1b: {  	[sflag:s24] =	ssyncset.done $0x0  }
0x1c: {  	s26 =	simm.s32 $0x1B8E;
	s25 =	sld [smem:$0x3FFE];
	[sflag:s24] =	ssyncadd.s32 $0xFFFFFFFF  }
0x1d: {  	s27 =	simm.s32 $execute0_lowered;
	[smem:$0x3FD2] =	sst s26  }
0x1e: {  	s5 =	sshll.u32 s27, $0x1;
	_ =	strace $0x80000049;
	[dreg:$0x1] =	wrdreg $0xFFFFFFFF  }
0x1f: {  	s28 =	simm.s32 $_size_execute0_lowered;
	s3 =	sadd.s32 s3, s5;
	[dreg:$0x0] =	wrdreg $0x0  }
0x20: {  	s5 =	sshll.u32 s28, $0x1;
	[dreg:$0x2] =	wrdreg s3  }
0x21: {  	[dreg:$0x3] =	wrdreg s5  }
0x22: {  	[dreg:$0x4] =	wrdreg $0xC0  }
0x23: {  	_ =	task [dreg:s7], $0x5FFFF  }
0x24: {  	[dreg:$0x1] =	wrdreg $0xFFFFFFFF  }
0x25: {  	[dreg:$0x0] =	wrdreg $0x60  }
0x26: {  	[dreg:$0x2] =	wrdreg s25  }
0x27: {  	[dreg:$0x3] =	wrdreg s2  }
0x28: {  	[dreg:$0x4] =	wrdreg $0x9  }
0x29: {  	_ =	task.clear_ibuf [dreg:s7], $0x5FFFF;
	_ =	strace $0x90000049  }
0x2a: {  	s29 =	simm.s32 $0x9;
	_ =	strace $0x8000004B  }
0x2b: {  	_ =	swait.ge [sflag:s29], $0x1  }
0x2c: {  	[sflag:s29] =	ssyncadd.s32 $0xFFFFFFFF  }
0x2d: {  	_ =	strace $0x9000004B  }
0x2e: {  	_ =	sfence  }
0x2f: {  	s30 =	sld [smem:$0x0];
	_ =	sdelay $0x2  }
0x30: {  	s31 =	sshll.u32 s1, $0xD;
	s1 =	sshrl.u32 s1, $0x2  }
0x31: {  	s3 =	sand.u32 $0x4000, s31;
	s1 =	sadd.s32 s1, s30  }
0x32: {  	s0 =	sor.u32 s3, s0;
	s1 =	sshll.u32 s1, $0x11  }
0x33: {  	s0 =	sor.u32 s1, s0  }
0x34: {  	s0 =	sadd.s32 $0x8F2B, s0  }
0x35: {  	[sflag:s0] =	ssyncadd.remote.s32 $0x1  }
0x36: {  	_ =	sfence.sel $0xFFFF  }
0x37: {  	[dreg:$0x0] =	wrdreg $0xFFFFFFFF;
	(pc) =	sbr.abs _section_cstart, $3  }
0x38: {  	[dreg:$0x1] =	wrdreg $0xFFFFFFFF  }
0x39: {  	_ =	task.clear_ibuf [dreg:s7], $0x2FFFF;
	_ =	strace $0x9FFFFFFF  }
0x3a: {  	(tm) =	ssettm $0x7FFFFFFF  }
0x3b: {  	_ =	shalt  }
tec
execute0_lowered:
.L_overlay_start_1:
0x0: {  	(tag) =	ssettag $0x1  }
0x1: {  	s0 =	srdreg.scid  }
0x2: {  	s1 =	sshll.u32 s0, $0x4  }
0x3: {  	s0 =	stileid.u32;
	s1 =	sand.u32 $0x10, s1  }
0x4: {  	s1 =	sor.u32 s0, s1  }
0x5: {  	s6 =	rddreg [dreg:$0x0];
	s4 =	simm.s32 $0x1;
	s2 =	sshll.u32 s1, $0x7  }
0x6: {  	s7 =	simm.s32 $0x2;
	s12 =	simm.s32 $0x0;
	s1 =	ssub.s32 $0x4000, s2  }
0x7: {  	s8 =	simm.s32 $0x20000;
	s13 =	simm.s32 $0x0;
	s3 =	sand.u32 $0xF80, s1  }
0x8: {  	s9 =	simm.s32 $0x0;
	s5 =	sshrl.u32 s1, $0xC;
	p0 =	sne.s32 s3, $0x0  }
.Ltmp0:
0x9: {  	s1 =	rddreg [dreg:$0x2];
	s4 =	simm.s32 @!p0 $0x0;
	(pc) =	sbr.rel .LBB1_1-.Ltmp0, $4  }
0xa: {  	s11 =	simm.s32 $0x0;
	s3 =	rddreg [dreg:$0x1];
	s5 =	sadd.s32 s4, s5  }
0xb: {  	_ =	strace $0x8000004A;
	s4 =	simm.s32 $0x1;
	s5 =	smul.u32 $0xC8, s5  }
0xc: {  	s6 =	sadd.s32 $0x800, s6;
	s10 =	smov.u32 s2;
	[sflag:s4] =	ssyncpa.u1 $0x0  }
0xd: {  	p0 =	por $0x0, $0x0;
	[sflag:s7] =	ssyncpa.u1 $0x0;
	s7 =	sor.u32 $0x1, s5  }
.LBB1_4:
0xe: {  	s16 =	sshll.u32 s13, $0x3;
	s17 =	sand.u32 $0x78, s13  }
0xf: {  	s30 =	sand.u32 $0xF800, s13;
	s12 =	sshll.u32 s12, $0x10;
	s16 =	sand.u32 $0x3C00, s16  }
0x10: {  	s31 =	sand.u32 $0x7, s13;
	s16 =	sor.u32 s17, s16;
	s17 =	sadd.s32 s3, s30  }
0x11: {  	s13 =	sshll.u32 s31, $0x12;
	s16 =	sshrl.u32 s16, $0x3;
	s12 =	sadd.s32 s12, s17  }
0x12: {  	[tilespmem:s15+$0x0 ss:$0x81] =	vst.msk $0xffff, v0;
	s13 =	sor.u32 $0x400, s13;
	s12 =	sadd.s32 s16, s12  }
0x13: {  	[hbm4b:s12+s13] =	stream.strided.scatter [tilespmem:s14], [sflag:$0x2], $0x1000, s8, s13, $0x20;
	[tilespmem:$0x4040] =	vst v63  }
.LBB1_5:
0x14: {  	s14 =	sadd.s32 $0x1, s9  }
0x15: {  	s12 =	sadd.s32 $0x1000, s10;
	s16 =	smov.u32 s10;
	p2 =	sgt.s32 s14, $0xC7  }
0x16: {  	s16 =	smov.u32 @p2 s12  }
0x17: {  	s14 =	simm.s32 @p2 $0x0;
	p2 =	sgt.s32 s16, $0x3FFF  }
0x18: {  	s16 =	smov.u32 @p2 s2;
	p2 =	sne.s32 s11, s7  }
.Ltmp1:
0x19: {  	p1 =	slt.u32 s11, $0x2;
	(pc) =	sbr.rel @!p2 .LBB1_6-.Ltmp1, $4  }
0x1a: {  	s15 =	simm.s32 @!p1 $0x2  }
0x1b: {  	s13 =	smov.u32 s10;
	p0 =	por !p0, !p0;
	_ =	swait.ge @!p1 [sflag:s15], $0x1000  }
0x1c: {  	s12 =	smov.u32 s9;
	[sflag:s15] =	ssyncset.done @!p1 $0x0;
	s9 =	smov.u32 s14  }
0x1d: {  	s11 =	sadd.s32 $0x1, s11;
	[sflag:s15] =	ssyncadd.s32 @!p1 $0xFFFFF000;
	s10 =	smov.u32 s16  }
.LBB1_1:
0x1e: {  	p1 =	sge.u32 s11, s5  }
0x1f: {  	s14 =	sand.u32 @!p1 $0x1FFFFFF, s9  }
0x20: {  	s15 =	smulhi.u32 @!p1 $0x147AE15, s14;
	_ =	sdelay $0x1  }
0x21: {  	s15 =	smul.u32 @!p1 $0xC8, s15  }
0x22: {  	s16 =	sxor.u32 @!p1 $0xFFFFFFFF, s11;
	s17 =	smul.u32 @!p1 $0xC80, s10  }
0x23: {  	s31 =	sadd.s32 $0xFFFFFFFF, s11;
	s16 =	sshll.u32 @!p1 s16, $0xC;
	s14 =	ssub.s32 @!p1 s14, s15  }
0x24: {  	s15 =	sand.u32 @!p1 $0x1000, s16;
	s16 =	sadd.s32 @!p1 s6, s17;
	s14 =	sshll.u32 @!p1 s14, $0x4  }
0x25: {  	s17 =	simm.s32 @!p1 $0x6400;
	s14 =	sadd.s32 @!p1 s14, s16;
	s16 =	simm.s32 @!p1 $0x20  }
0x26: {  	[tilespmem:s15], [sflag:$0x1] =	stream.strided.gather @!p1 [hbm4b:s14+s16], $0x1000, s17, s16, $0x38;
	[tilespmem:$0x4040] =	vst v63  }
0x27: {  	p1 =	sge.u32 s31, s5  }
.Ltmp2:
0x28: {  	_ = 	snop;
	(pc) =	sbr.rel @p1 .LBB1_5-.Ltmp2, $1  }
0x29: {  	_ =	sdelay $0x3  }
0x2a: {  	s14 =	simm.s32 $0x1  }
0x2b: {  	_ =	swait.ge [sflag:s4], $0x1000;
	s14 =	simm.s32 @!p0 $0x0  }
0x2c: {  	[sflag:s4] =	ssyncset.done $0x0;
	s15 =	sshll.u32 s14, $0xC  }
0x2d: {  	[sflag:s4] =	ssyncadd.s32 $0xFFFFF000;
	s18 =	sor.u32 $0x10, s15  }
0x2e: {  	s14 =	smul.u32 $0x4080, s14;
	v1 =	vld [tilespmem:s18+$0x0]  }
0x2f: {  	s30 =	sand.u32 $0x1, s11;
	v0 =	vld [tilespmem:s18+$0xFFFFFFF0]  }
0x30: {  	s15 =	smul.u32 $0x4080, s30;
	s14 =	sshrl.u32 s14, $0x2  }
0x31: {  	s16 =	sor.u32 $0x2000, s14  }
0x32: {  	s31 =	sshrl.u32 s15, $0x2;
	s15 =	sadd.s32 $0x0, s16  }
0x33: {  	s17 =	simm.s32 $0x4;
	s18 =	sadd.s32 $0x20, s18;
	s14 =	sor.u32 $0x2000, s31;
	[tilespmem:s15+$0x810 ss:$0x81] =	vst.msk $0xffff, v1  }
.LBB1_3:
0x34: {  	v1 =	vld [tilespmem:s18+$0x0];
	p1 =	sne.s32 s17, $0x1FC;
	[tilespmem:s15+$0x0 ss:$0x81] =	vst.msk $0xffff, v0;
	s15 =	smov.u32 s17;
	s17 =	sadd.s32 $0x4, s17  }
.Ltmp3:
0x35: {  	v0 =	vld [tilespmem:s18+$0xFFFFFFF0];
	(pc) =	sbr.rel @p1 .LBB1_3-.Ltmp3, $4  }
0x36: {  	_ = 	snop  }
0x37: {  	s15 =	sshra.s32 s15, $0x2  }
0x38: {  	s15 =	sadd.s32 s15, s16  }
0x39: {  	s18 =	sadd.s32 $0x20, s18;
	[tilespmem:s15+$0x810 ss:$0x81] =	vst.msk $0xffff, v1  }
.Ltmp4:
0x3a: {  	_ = 	snop;
	(pc) =	sbr.rel .LBB1_4-.Ltmp4, $1  }
0x3b: {  	_ =	sdelay $0x3  }
.LBB1_6:
0x3c: {  	_ =	sfence.sel $0x180000  }
0x3d: {  	s2 =	simm.s32 $0x1;
	[bflag:$0x0] =	sbarrier.arrive $0xFFFF  }
0x3e: {  	s31 =	simm.s32 $0x2;
	[sflag:s2] =	ssyncpa.u1 $0x1  }
0x3f: {  	[sflag:s31] =	ssyncpa.u1 $0x1  }
0x40: {  	p0 =	sne.s32 s0, $0x0;
	_ =	strace $0x9000004A  }
0x41: {  	s0 =	sadd.s32 @!p0 $0x100000, s1;
	[bflag:$0x2] =	sbarrier.arrive $0xFFFF  }
0x42: {  	[sflag:s0] =	ssyncadd.tile.s32 @!p0 $0x1;
	_ =	shalt  }
.Lfunc_end1:
_tile_overlayer_lowered:
.L_overlay_start_2:
0x43: {  	(tag) =	ssettag $0x2  }
0x44: {  	s0 =	rddreg [dreg:$0x0];
	s2 =	stileid.u32  }
0x45: {  	s1 =	rddreg [dreg:$0x1];
	p0 =	sne.s32 s2, $0x0  }
0x46: {  	s3 =	rddreg [dreg:$0x2];
	[bflag:$0x3] =	sbarrier.arrive $0xFFFF;
	s2 =	simm.s32 @!p0 $0x1C01  }
0x47: {  	[timem:s3], [sflag:s2] =	dma.local @!p0 [hbm:s0], s1  }
0x48: {  	s0 =	simm.s32 @!p0 $0x1  }
0x49: {  	_ =	swait.ge @!p0 [sflag:s0], s1  }
0x4a: {  	s1 =	ssub.s32 @!p0 $0x0, s1;
	[sflag:s0] =	ssyncset.done @!p0 $0x0  }
0x4b: {  	[sflag:s0] =	ssyncadd.s32 @!p0 s1  }
0x4c: {  	[bflag:$0x3] =	sbarrier.arrive $0xFFFF  }
0x4d: {  	_ =	shalt  }

</sc_bundles>
